<compile_context>
chip_gen: v7x
topology: tpu7x:2x2x1
jax: 0.10.2.dev20260603
libtpu: 0.0.44.dev20260713+nightly
codegen_flags: <defaults>
</compile_context>

<pallas_src>
import functools

import jax
import jax.numpy as jnp
from jax import lax
from jax.experimental import pallas as pl
from jax.experimental.pallas import tpu as pltpu
from jax.experimental.pallas import tpu_sc as plsc

_S = 8192
_D = 1024
_NC = 2
_NS = 16
_NW = _NC * _NS

_TC_ROWS = 7168
_SC_ROWS = _S - _TC_ROWS
_W_ROWS = _SC_ROWS // _NW
_CROWS = 16
_N_CHUNKS = _W_ROWS // _CROWS
_VPR = _D // 16


def _sc_body(x_hbm, e_hbm, o_hbm, xb0, eb0, xb1, eb1, sx0, se0, so0, sx1, se1, so1):
    wid = lax.axis_index("s") * _NC + lax.axis_index("c")
    base = wid * _W_ROWS
    xbs = (xb0, xb1)
    ebs = (eb0, eb1)
    sxs = (sx0, sx1)
    ses = (se0, se1)
    sos = (so0, so1)

    def start_in(g, b):
        r0 = base + g * _CROWS
        pltpu.make_async_copy(
            x_hbm.at[0, pl.ds(_TC_ROWS + r0, _CROWS)], xbs[b], sxs[b]).start()
        pltpu.make_async_copy(
            e_hbm.at[pl.ds(_TC_ROWS + r0, _CROWS)], ebs[b], ses[b]).start()

    def wait_in(b):
        pltpu.make_async_copy(x_hbm.at[0, pl.ds(0, _CROWS)], xbs[b], sxs[b]).wait()
        pltpu.make_async_copy(e_hbm.at[pl.ds(0, _CROWS)], ebs[b], ses[b]).wait()

    def start_out(g, b):
        r0 = base + g * _CROWS
        pltpu.make_async_copy(xbs[b], o_hbm.at[0, pl.ds(r0, _CROWS)], sos[b]).start()

    def wait_out(b):
        pltpu.make_async_copy(xbs[b], o_hbm.at[0, pl.ds(0, _CROWS)], sos[b]).wait()

    def compute(b):
        xb, eb = xbs[b], ebs[b]

        def vec_body(i, c):
            s = pl.ds(i * 16, 16)
            for r in range(_CROWS):
                xb[r, s] = xb[r, s] + eb[r, s]
            return c

        lax.fori_loop(0, _VPR, vec_body, 0)

    start_in(0, 0)
    for g in range(_N_CHUNKS):
        b = g % 2
        if g + 1 < _N_CHUNKS:
            if g >= 1:
                wait_out(1 - b)
            start_in(g + 1, 1 - b)
        wait_in(b)
        compute(b)
        start_out(g, b)
    wait_out(0)
    wait_out(1)


_sc_add = functools.partial(
    pl.kernel,
    mesh=plsc.VectorSubcoreMesh(core_axis_name="c", subcore_axis_name="s"),
    out_type=jax.ShapeDtypeStruct((1, _SC_ROWS, _D), jnp.float32),
    scratch_types=[
        pltpu.VMEM((_CROWS, _D), jnp.float32),
        pltpu.VMEM((_CROWS, _D), jnp.float32),
        pltpu.VMEM((_CROWS, _D), jnp.float32),
        pltpu.VMEM((_CROWS, _D), jnp.float32),
        pltpu.SemaphoreType.DMA,
        pltpu.SemaphoreType.DMA,
        pltpu.SemaphoreType.DMA,
        pltpu.SemaphoreType.DMA,
        pltpu.SemaphoreType.DMA,
        pltpu.SemaphoreType.DMA,
    ],
)(_sc_body)


_TC_BLK = 1024


def _tc_body(x_ref, e_ref, o_ref):
    o_ref[...] = x_ref[...] + e_ref[...]


_tc_add = pl.pallas_call(
    _tc_body,
    grid=(_TC_ROWS // _TC_BLK,),
    in_specs=[
        pl.BlockSpec((1, _TC_BLK, _D), lambda i: (0, i, 0)),
        pl.BlockSpec((_TC_BLK, _D), lambda i: (i, 0)),
    ],
    out_specs=pl.BlockSpec((1, _TC_BLK, _D), lambda i: (0, i, 0)),
    out_shape=jax.ShapeDtypeStruct((1, _S, _D), jnp.float32),
)


def kernel(x, encoding):
    sc_out = _sc_add(x, encoding)
    tc_out = _tc_add(x, encoding)
    return lax.dynamic_update_slice(tc_out, sc_out, (0, _TC_ROWS, 0))

# --- scband reference (transcript-rebuilt; emitter-appended) ---
"""Pipeline reference for scband-positional-encoding-18726057411022 (READ-ONLY COPY).

The authoritative reference and input builder live on the scoring server;
editing this copy changes nothing except your own understanding.
"""

import jax, jax.numpy as jnp
import numpy as np

MAX_LEN = 8192
EMBED_DIM = 1024

def setup_inputs(seed: int = 0) -> dict:
    key = jax.random.key(seed)
    k1, k2 = jax.random.split(key)
    x = jax.random.normal(k1, (1, 8192, 1024), dtype=jnp.float32)
    encoding = jax.random.normal(k2, (MAX_LEN, EMBED_DIM), dtype=jnp.float32) * 0.02
    return {"x": x, "encoding": encoding}

def reference(x, encoding):
    # Faithful translation of PositionalEncoding.forward (eval mode: dropout is identity).
    N, S, D = x.shape
    idx = jnp.arange(0, S)[None, :]                      # [1, S]
    idx = jnp.concatenate([idx] * N, axis=1)             # [1, N*S]  (module's quirky cat on dim=1)
    enc_weights = jnp.take(encoding, idx, axis=0)        # [1, N*S, D] embedding gather
    output = x + enc_weights                             # broadcasts correctly since N == 1
    return output

if __name__ == "__main__":
    import jax
    _d = setup_inputs()
    print(jax.jit(kernel)(*tuple(_d.values())))

</pallas_src>

<mosaic_0001>
#map = affine_map<(d0, d1) -> (0, 0, 0)>
#map1 = affine_map<(d0, d1) -> (0, 0)>
module attributes {stable_mosaic.version = 14 : i64} {
  func.func @_sc_body(%arg0: i32, %arg1: i32, %arg2: memref<1x8192x1024xf32, #tpu.memory_space<hbm>>, %arg3: memref<8192x1024xf32, #tpu.memory_space<hbm>>, %arg4: memref<1x1024x1024xf32, #tpu.memory_space<hbm>>, %arg5: memref<16x1024xf32, #tpu.memory_space<vmem>>, %arg6: memref<16x1024xf32, #tpu.memory_space<vmem>>, %arg7: memref<16x1024xf32, #tpu.memory_space<vmem>>, %arg8: memref<16x1024xf32, #tpu.memory_space<vmem>>, %arg9: memref<!tpu.dma_semaphore, #tpu.memory_space<semaphore_mem>>, %arg10: memref<!tpu.dma_semaphore, #tpu.memory_space<semaphore_mem>>, %arg11: memref<!tpu.dma_semaphore, #tpu.memory_space<semaphore_mem>>, %arg12: memref<!tpu.dma_semaphore, #tpu.memory_space<semaphore_mem>>, %arg13: memref<!tpu.dma_semaphore, #tpu.memory_space<semaphore_mem>>, %arg14: memref<!tpu.dma_semaphore, #tpu.memory_space<semaphore_mem>>) attributes {dimension_semantics = [#tpu.dimension_semantics<core_parallel>, #tpu.dimension_semantics<subcore_parallel>], iteration_bounds = array<i64: 2, 16>, scalar_prefetch = 0 : i64, scratch_operands = 10 : i64, tpu.core_type = #tpu.core_type<sc_vector_subcore>, window_params = [{transform_indices = #map}, {transform_indices = #map1}, {transform_indices = #map}]} {
    %mul3A = arith.constant 2 : i32
    %mul3A_0 = arith.muli %arg1, %mul3A : i32
    %add3A = arith.addi %mul3A_0, %arg0 : i32
    %mul3A_1 = arith.constant 32 : i32
    %mul3A_2 = arith.muli %add3A, %mul3A_1 : i32
    %add3A_3 = arith.constant 0 : i32
    %add3A_4 = arith.addi %mul3A_2, %add3A_3 : i32
    %add3A_5 = arith.constant 7168 : i32
    %add3A_6 = arith.addi %add3A_5, %add3A_4 : i32
    %dma_start3A = arith.constant 0 : i32
    %dma_start3A_7 = arith.constant 0 : i32
    %dma_start3A_8 = tpu.memref_slice %arg2[%dma_start3A, %add3A_6, %dma_start3A_7] : memref<1x8192x1024xf32, #tpu.memory_space<hbm>> -> memref<1x16x1024xf32, #tpu.memory_space<hbm>>
    %dma_start3A_9 = tpu.memref_squeeze %dma_start3A_8 : memref<1x16x1024xf32, #tpu.memory_space<hbm>> -> memref<16x1024xf32, #tpu.memory_space<hbm>>
    %dma_start3A_10 = arith.constant 0 : i32
    %dma_start3A_11 = tpu.memref_slice %arg2[%dma_start3A, %add3A_6, %dma_start3A_10] : memref<1x8192x1024xf32, #tpu.memory_space<hbm>> -> memref<1x16x1024xf32, #tpu.memory_space<hbm>>
    %dma_start3A_12 = tpu.memref_squeeze %dma_start3A_11 : memref<1x16x1024xf32, #tpu.memory_space<hbm>> -> memref<16x1024xf32, #tpu.memory_space<hbm>>
    tpu.enqueue_dma source(%dma_start3A_12 : memref<16x1024xf32, #tpu.memory_space<hbm>>) target(%arg5 : memref<16x1024xf32, #tpu.memory_space<vmem>>) target_semaphore(%arg9 : memref<!tpu.dma_semaphore, #tpu.memory_space<semaphore_mem>>)
    %add3A_13 = arith.constant 7168 : i32
    %add3A_14 = arith.addi %add3A_13, %add3A_4 : i32
    %dma_start3A_15 = arith.constant 0 : i32
    %dma_start3A_16 = tpu.memref_slice %arg3[%add3A_14, %dma_start3A_15] : memref<8192x1024xf32, #tpu.memory_space<hbm>> -> memref<16x1024xf32, #tpu.memory_space<hbm>>
    %dma_start3A_17 = arith.constant 0 : i32
    %dma_start3A_18 = tpu.memref_slice %arg3[%add3A_14, %dma_start3A_17] : memref<8192x1024xf32, #tpu.memory_space<hbm>> -> memref<16x1024xf32, #tpu.memory_space<hbm>>
    tpu.enqueue_dma source(%dma_start3A_18 : memref<16x1024xf32, #tpu.memory_space<hbm>>) target(%arg6 : memref<16x1024xf32, #tpu.memory_space<vmem>>) target_semaphore(%arg10 : memref<!tpu.dma_semaphore, #tpu.memory_space<semaphore_mem>>)
    %add3A_19 = arith.constant 16 : i32
    %add3A_20 = arith.addi %mul3A_2, %add3A_19 : i32
    %add3A_21 = arith.constant 7168 : i32
    %add3A_22 = arith.addi %add3A_21, %add3A_20 : i32
    %dma_start3A_23 = arith.constant 0 : i32
    %dma_start3A_24 = arith.constant 0 : i32
    %dma_start3A_25 = tpu.memref_slice %arg2[%dma_start3A_23, %add3A_22, %dma_start3A_24] : memref<1x8192x1024xf32, #tpu.memory_space<hbm>> -> memref<1x16x1024xf32, #tpu.memory_space<hbm>>
    %dma_start3A_26 = tpu.memref_squeeze %dma_start3A_25 : memref<1x16x1024xf32, #tpu.memory_space<hbm>> -> memref<16x1024xf32, #tpu.memory_space<hbm>>
    %dma_start3A_27 = arith.constant 0 : i32
    %dma_start3A_28 = tpu.memref_slice %arg2[%dma_start3A_23, %add3A_22, %dma_start3A_27] : memref<1x8192x1024xf32, #tpu.memory_space<hbm>> -> memref<1x16x1024xf32, #tpu.memory_space<hbm>>
    %dma_start3A_29 = tpu.memref_squeeze %dma_start3A_28 : memref<1x16x1024xf32, #tpu.memory_space<hbm>> -> memref<16x1024xf32, #tpu.memory_space<hbm>>
    tpu.enqueue_dma source(%dma_start3A_29 : memref<16x1024xf32, #tpu.memory_space<hbm>>) target(%arg7 : memref<16x1024xf32, #tpu.memory_space<vmem>>) target_semaphore(%arg12 : memref<!tpu.dma_semaphore, #tpu.memory_space<semaphore_mem>>)
    %add3A_30 = arith.constant 7168 : i32
    %add3A_31 = arith.addi %add3A_30, %add3A_20 : i32
    %dma_start3A_32 = arith.constant 0 : i32
    %dma_start3A_33 = tpu.memref_slice %arg3[%add3A_31, %dma_start3A_32] : memref<8192x1024xf32, #tpu.memory_space<hbm>> -> memref<16x1024xf32, #tpu.memory_space<hbm>>
    %dma_start3A_34 = arith.constant 0 : i32
    %dma_start3A_35 = tpu.memref_slice %arg3[%add3A_31, %dma_start3A_34] : memref<8192x1024xf32, #tpu.memory_space<hbm>> -> memref<16x1024xf32, #tpu.memory_space<hbm>>
    tpu.enqueue_dma source(%dma_start3A_35 : memref<16x1024xf32, #tpu.memory_space<hbm>>) target(%arg8 : memref<16x1024xf32, #tpu.memory_space<vmem>>) target_semaphore(%arg13 : memref<!tpu.dma_semaphore, #tpu.memory_space<semaphore_mem>>)
    %dma_wait3A = arith.constant 0 : i32
    %dma_wait3A_36 = arith.constant 0 : i32
    %dma_wait3A_37 = arith.constant 0 : i32
    %dma_wait3A_38 = tpu.memref_slice %arg2[%dma_wait3A, %dma_wait3A_36, %dma_wait3A_37] : memref<1x8192x1024xf32, #tpu.memory_space<hbm>> -> memref<1x16x1024xf32, #tpu.memory_space<hbm>>
    %dma_wait3A_39 = tpu.memref_squeeze %dma_wait3A_38 : memref<1x16x1024xf32, #tpu.memory_space<hbm>> -> memref<16x1024xf32, #tpu.memory_space<hbm>>
    %dma_wait3A_40 = arith.constant 0 : i32
    %dma_wait3A_41 = arith.constant 0 : i32
    %dma_wait3A_42 = tpu.memref_slice %arg2[%dma_wait3A, %dma_wait3A_40, %dma_wait3A_41] : memref<1x8192x1024xf32, #tpu.memory_space<hbm>> -> memref<1x16x1024xf32, #tpu.memory_space<hbm>>
    %dma_wait3A_43 = tpu.memref_squeeze %dma_wait3A_42 : memref<1x16x1024xf32, #tpu.memory_space<hbm>> -> memref<16x1024xf32, #tpu.memory_space<hbm>>
    tpu.wait_dma2 semaphore(%arg9 : memref<!tpu.dma_semaphore, #tpu.memory_space<semaphore_mem>>) src(%dma_wait3A_43 : memref<16x1024xf32, #tpu.memory_space<hbm>>) dst(%arg5 : memref<16x1024xf32, #tpu.memory_space<vmem>>)
    %dma_wait3A_44 = arith.constant 0 : i32
    %dma_wait3A_45 = arith.constant 0 : i32
    %dma_wait3A_46 = tpu.memref_slice %arg3[%dma_wait3A_44, %dma_wait3A_45] : memref<8192x1024xf32, #tpu.memory_space<hbm>> -> memref<16x1024xf32, #tpu.memory_space<hbm>>
    %dma_wait3A_47 = arith.constant 0 : i32
    %dma_wait3A_48 = arith.constant 0 : i32
    %dma_wait3A_49 = tpu.memref_slice %arg3[%dma_wait3A_47, %dma_wait3A_48] : memref<8192x1024xf32, #tpu.memory_space<hbm>> -> memref<16x1024xf32, #tpu.memory_space<hbm>>
    tpu.wait_dma2 semaphore(%arg10 : memref<!tpu.dma_semaphore, #tpu.memory_space<semaphore_mem>>) src(%dma_wait3A_49 : memref<16x1024xf32, #tpu.memory_space<hbm>>) dst(%arg6 : memref<16x1024xf32, #tpu.memory_space<vmem>>)
    %scan3A = arith.constant 0 : i32
    %scan3A_50 = arith.constant 0 : i32
    %scan3A_51 = arith.constant 64 : i32
    %scan3A_52 = arith.addi %scan3A_50, %scan3A_51 : i32
    %scan3A_53 = arith.constant 1 : i32
    scf.for %scan3A_112 = %scan3A_50 to %scan3A_52 step %scan3A_53  : i32 {
      %mul3A_113 = arith.constant 16 : i32
      %mul3A_114 = arith.muli %scan3A_112, %mul3A_113 : i32
      %get3A = arith.constant 0 : i32
      %get3A_115 = arith.index_cast %get3A : i32 to index
      %get3A_116 = arith.index_cast %mul3A_114 : i32 to index
      %get3A_117 = tpu.vector_load %arg5[%get3A_115, %get3A_116] {strides = array<i32>} : memref<16x1024xf32, #tpu.memory_space<vmem>>, vector<1x16xf32>,
      %get3A_118 = vector.shape_cast %get3A_117 : vector<1x16xf32> to vector<16xf32>
      %get3A_119 = arith.constant 0 : i32
      %get3A_120 = arith.index_cast %get3A_119 : i32 to index
      %get3A_121 = arith.index_cast %mul3A_114 : i32 to index
      %get3A_122 = tpu.vector_load %arg6[%get3A_120, %get3A_121] {strides = array<i32>} : memref<16x1024xf32, #tpu.memory_space<vmem>>, vector<1x16xf32>,
      %get3A_123 = vector.shape_cast %get3A_122 : vector<1x16xf32> to vector<16xf32>
      %add3A_124 = arith.addf %get3A_118, %get3A_123 : vector<16xf32>
      %swap3A = arith.constant 0 : i32
      %swap3A_125 = arith.index_cast %swap3A : i32 to index
      %swap3A_126 = arith.index_cast %mul3A_114 : i32 to index
      %swap3A_127 = tpu.vector_load %arg5[%swap3A_125, %swap3A_126] {strides = array<i32>} : memref<16x1024xf32, #tpu.memory_space<vmem>>, vector<1x16xf32>,
      %swap3A_128 = vector.shape_cast %swap3A_127 : vector<1x16xf32> to vector<16xf32>
      %swap3A_129 = vector.shape_cast %add3A_124 : vector<16xf32> to vector<1x16xf32>
      tpu.vector_store %arg5[%swap3A_125, %swap3A_126], %swap3A_129 {strides = array<i32>} : memref<16x1024xf32, #tpu.memory_space<vmem>>, vector<1x16xf32>,
      %get3A_130 = arith.constant 1 : i32
      %get3A_131 = arith.index_cast %get3A_130 : i32 to index
      %get3A_132 = arith.index_cast %mul3A_114 : i32 to index
      %get3A_133 = tpu.vector_load %arg5[%get3A_131, %get3A_132] {strides = array<i32>} : memref<16x1024xf32, #tpu.memory_space<vmem>>, vector<1x16xf32>,
      %get3A_134 = vector.shape_cast %get3A_133 : vector<1x16xf32> to vector<16xf32>
      %get3A_135 = arith.constant 1 : i32
      %get3A_136 = arith.index_cast %get3A_135 : i32 to index
      %get3A_137 = arith.index_cast %mul3A_114 : i32 to index
      %get3A_138 = tpu.vector_load %arg6[%get3A_136, %get3A_137] {strides = array<i32>} : memref<16x1024xf32, #tpu.memory_space<vmem>>, vector<1x16xf32>,
      %get3A_139 = vector.shape_cast %get3A_138 : vector<1x16xf32> to vector<16xf32>
      %add3A_140 = arith.addf %get3A_134, %get3A_139 : vector<16xf32>
      %swap3A_141 = arith.constant 1 : i32
      %swap3A_142 = arith.index_cast %swap3A_141 : i32 to index
      %swap3A_143 = arith.index_cast %mul3A_114 : i32 to index
      %swap3A_144 = tpu.vector_load %arg5[%swap3A_142, %swap3A_143] {strides = array<i32>} : memref<16x1024xf32, #tpu.memory_space<vmem>>, vector<1x16xf32>,
      %swap3A_145 = vector.shape_cast %swap3A_144 : vector<1x16xf32> to vector<16xf32>
      %swap3A_146 = vector.shape_cast %add3A_140 : vector<16xf32> to vector<1x16xf32>
      tpu.vector_store %arg5[%swap3A_142, %swap3A_143], %swap3A_146 {strides = array<i32>} : memref<16x1024xf32, #tpu.memory_space<vmem>>, vector<1x16xf32>,
      %get3A_147 = arith.constant 2 : i32
      %get3A_148 = arith.index_cast %get3A_147 : i32 to index
      %get3A_149 = arith.index_cast %mul3A_114 : i32 to index
      %get3A_150 = tpu.vector_load %arg5[%get3A_148, %get3A_149] {strides = array<i32>} : memref<16x1024xf32, #tpu.memory_space<vmem>>, vector<1x16xf32>,
      %get3A_151 = vector.shape_cast %get3A_150 : vector<1x16xf32> to vector<16xf32>
      %get3A_152 = arith.constant 2 : i32
      %get3A_153 = arith.index_cast %get3A_152 : i32 to index
      %get3A_154 = arith.index_cast %mul3A_114 : i32 to index
      %get3A_155 = tpu.vector_load %arg6[%get3A_153, %get3A_154] {strides = array<i32>} : memref<16x1024xf32, #tpu.memory_space<vmem>>, vector<1x16xf32>,
      %get3A_156 = vector.shape_cast %get3A_155 : vector<1x16xf32> to vector<16xf32>
      %add3A_157 = arith.addf %get3A_151, %get3A_156 : vector<16xf32>
      %swap3A_158 = arith.constant 2 : i32
      %swap3A_159 = arith.index_cast %swap3A_158 : i32 to index
      %swap3A_160 = arith.index_cast %mul3A_114 : i32 to index
      %swap3A_161 = tpu.vector_load %arg5[%swap3A_159, %swap3A_160] {strides = array<i32>} : memref<16x1024xf32, #tpu.memory_space<vmem>>, vector<1x16xf32>,
      %swap3A_162 = vector.shape_cast %swap3A_161 : vector<1x16xf32> to vector<16xf32>
      %swap3A_163 = vector.shape_cast %add3A_157 : vector<16xf32> to vector<1x16xf32>
      tpu.vector_store %arg5[%swap3A_159, %swap3A_160], %swap3A_163 {strides = array<i32>} : memref<16x1024xf32, #tpu.memory_space<vmem>>, vector<1x16xf32>,
      %get3A_164 = arith.constant 3 : i32
      %get3A_165 = arith.index_cast %get3A_164 : i32 to index
      %get3A_166 = arith.index_cast %mul3A_114 : i32 to index
      %get3A_167 = tpu.vector_load %arg5[%get3A_165, %get3A_166] {strides = array<i32>} : memref<16x1024xf32, #tpu.memory_space<vmem>>, vector<1x16xf32>,
      %get3A_168 = vector.shape_cast %get3A_167 : vector<1x16xf32> to vector<16xf32>
      %get3A_169 = arith.constant 3 : i32
      %get3A_170 = arith.index_cast %get3A_169 : i32 to index
      %get3A_171 = arith.index_cast %mul3A_114 : i32 to index
      %get3A_172 = tpu.vector_load %arg6[%get3A_170, %get3A_171] {strides = array<i32>} : memref<16x1024xf32, #tpu.memory_space<vmem>>, vector<1x16xf32>,
      %get3A_173 = vector.shape_cast %get3A_172 : vector<1x16xf32> to vector<16xf32>
      %add3A_174 = arith.addf %get3A_168, %get3A_173 : vector<16xf32>
      %swap3A_175 = arith.constant 3 : i32
      %swap3A_176 = arith.index_cast %swap3A_175 : i32 to index
      %swap3A_177 = arith.index_cast %mul3A_114 : i32 to index
      %swap3A_178 = tpu.vector_load %arg5[%swap3A_176, %swap3A_177] {strides = array<i32>} : memref<16x1024xf32, #tpu.memory_space<vmem>>, vector<1x16xf32>,
      %swap3A_179 = vector.shape_cast %swap3A_178 : vector<1x16xf32> to vector<16xf32>
      %swap3A_180 = vector.shape_cast %add3A_174 : vector<16xf32> to vector<1x16xf32>
      tpu.vector_store %arg5[%swap3A_176, %swap3A_177], %swap3A_180 {strides = array<i32>} : memref<16x1024xf32, #tpu.memory_space<vmem>>, vector<1x16xf32>,
      %get3A_181 = arith.constant 4 : i32
      %get3A_182 = arith.index_cast %get3A_181 : i32 to index
      %get3A_183 = arith.index_cast %mul3A_114 : i32 to index
      %get3A_184 = tpu.vector_load %arg5[%get3A_182, %get3A_183] {strides = array<i32>} : memref<16x1024xf32, #tpu.memory_space<vmem>>, vector<1x16xf32>,
      %get3A_185 = vector.shape_cast %get3A_184 : vector<1x16xf32> to vector<16xf32>
      %get3A_186 = arith.constant 4 : i32
      %get3A_187 = arith.index_cast %get3A_186 : i32 to index
      %get3A_188 = arith.index_cast %mul3A_114 : i32 to index
      %get3A_189 = tpu.vector_load %arg6[%get3A_187, %get3A_188] {strides = array<i32>} : memref<16x1024xf32, #tpu.memory_space<vmem>>, vector<1x16xf32>,
      %get3A_190 = vector.shape_cast %get3A_189 : vector<1x16xf32> to vector<16xf32>
      %add3A_191 = arith.addf %get3A_185, %get3A_190 : vector<16xf32>
      %swap3A_192 = arith.constant 4 : i32
      %swap3A_193 = arith.index_cast %swap3A_192 : i32 to index
      %swap3A_194 = arith.index_cast %mul3A_114 : i32 to index
      %swap3A_195 = tpu.vector_load %arg5[%swap3A_193, %swap3A_194] {strides = array<i32>} : memref<16x1024xf32, #tpu.memory_space<vmem>>, vector<1x16xf32>,
      %swap3A_196 = vector.shape_cast %swap3A_195 : vector<1x16xf32> to vector<16xf32>
      %swap3A_197 = vector.shape_cast %add3A_191 : vector<16xf32> to vector<1x16xf32>
      tpu.vector_store %arg5[%swap3A_193, %swap3A_194], %swap3A_197 {strides = array<i32>} : memref<16x1024xf32, #tpu.memory_space<vmem>>, vector<1x16xf32>,
      %get3A_198 = arith.constant 5 : i32
      %get3A_199 = arith.index_cast %get3A_198 : i32 to index
      %get3A_200 = arith.index_cast %mul3A_114 : i32 to index
      %get3A_201 = tpu.vector_load %arg5[%get3A_199, %get3A_200] {strides = array<i32>} : memref<16x1024xf32, #tpu.memory_space<vmem>>, vector<1x16xf32>,
      %get3A_202 = vector.shape_cast %get3A_201 : vector<1x16xf32> to vector<16xf32>
      %get3A_203 = arith.constant 5 : i32
      %get3A_204 = arith.index_cast %get3A_203 : i32 to index
      %get3A_205 = arith.index_cast %mul3A_114 : i32 to index
      %get3A_206 = tpu.vector_load %arg6[%get3A_204, %get3A_205] {strides = array<i32>} : memref<16x1024xf32, #tpu.memory_space<vmem>>, vector<1x16xf32>,
      %get3A_207 = vector.shape_cast %get3A_206 : vector<1x16xf32> to vector<16xf32>
      %add3A_208 = arith.addf %get3A_202, %get3A_207 : vector<16xf32>
      %swap3A_209 = arith.constant 5 : i32
      %swap3A_210 = arith.index_cast %swap3A_209 : i32 to index
      %swap3A_211 = arith.index_cast %mul3A_114 : i32 to index
      %swap3A_212 = tpu.vector_load %arg5[%swap3A_210, %swap3A_211] {strides = array<i32>} : memref<16x1024xf32, #tpu.memory_space<vmem>>, vector<1x16xf32>,
      %swap3A_213 = vector.shape_cast %swap3A_212 : vector<1x16xf32> to vector<16xf32>
      %swap3A_214 = vector.shape_cast %add3A_208 : vector<16xf32> to vector<1x16xf32>
      tpu.vector_store %arg5[%swap3A_210, %swap3A_211], %swap3A_214 {strides = array<i32>} : memref<16x1024xf32, #tpu.memory_space<vmem>>, vector<1x16xf32>,
      %get3A_215 = arith.constant 6 : i32
      %get3A_216 = arith.index_cast %get3A_215 : i32 to index
      %get3A_217 = arith.index_cast %mul3A_114 : i32 to index
      %get3A_218 = tpu.vector_load %arg5[%get3A_216, %get3A_217] {strides = array<i32>} : memref<16x1024xf32, #tpu.memory_space<vmem>>, vector<1x16xf32>,
      %get3A_219 = vector.shape_cast %get3A_218 : vector<1x16xf32> to vector<16xf32>
      %get3A_220 = arith.constant 6 : i32
      %get3A_221 = arith.index_cast %get3A_220 : i32 to index
      %get3A_222 = arith.index_cast %mul3A_114 : i32 to index
      %get3A_223 = tpu.vector_load %arg6[%get3A_221, %get3A_222] {strides = array<i32>} : memref<16x1024xf32, #tpu.memory_space<vmem>>, vector<1x16xf32>,
      %get3A_224 = vector.shape_cast %get3A_223 : vector<1x16xf32> to vector<16xf32>
      %add3A_225 = arith.addf %get3A_219, %get3A_224 : vector<16xf32>
      %swap3A_226 = arith.constant 6 : i32
      %swap3A_227 = arith.index_cast %swap3A_226 : i32 to index
      %swap3A_228 = arith.index_cast %mul3A_114 : i32 to index
      %swap3A_229 = tpu.vector_load %arg5[%swap3A_227, %swap3A_228] {strides = array<i32>} : memref<16x1024xf32, #tpu.memory_space<vmem>>, vector<1x16xf32>,
      %swap3A_230 = vector.shape_cast %swap3A_229 : vector<1x16xf32> to vector<16xf32>
      %swap3A_231 = vector.shape_cast %add3A_225 : vector<16xf32> to vector<1x16xf32>
      tpu.vector_store %arg5[%swap3A_227, %swap3A_228], %swap3A_231 {strides = array<i32>} : memref<16x1024xf32, #tpu.memory_space<vmem>>, vector<1x16xf32>,
      %get3A_232 = arith.constant 7 : i32
      %get3A_233 = arith.index_cast %get3A_232 : i32 to index
      %get3A_234 = arith.index_cast %mul3A_114 : i32 to index
      %get3A_235 = tpu.vector_load %arg5[%get3A_233, %get3A_234] {strides = array<i32>} : memref<16x1024xf32, #tpu.memory_space<vmem>>, vector<1x16xf32>,
      %get3A_236 = vector.shape_cast %get3A_235 : vector<1x16xf32> to vector<16xf32>
      %get3A_237 = arith.constant 7 : i32
      %get3A_238 = arith.index_cast %get3A_237 : i32 to index
      %get3A_239 = arith.index_cast %mul3A_114 : i32 to index
      %get3A_240 = tpu.vector_load %arg6[%get3A_238, %get3A_239] {strides = array<i32>} : memref<16x1024xf32, #tpu.memory_space<vmem>>, vector<1x16xf32>,
      %get3A_241 = vector.shape_cast %get3A_240 : vector<1x16xf32> to vector<16xf32>
      %add3A_242 = arith.addf %get3A_236, %get3A_241 : vector<16xf32>
      %swap3A_243 = arith.constant 7 : i32
      %swap3A_244 = arith.index_cast %swap3A_243 : i32 to index
      %swap3A_245 = arith.index_cast %mul3A_114 : i32 to index
      %swap3A_246 = tpu.vector_load %arg5[%swap3A_244, %swap3A_245] {strides = array<i32>} : memref<16x1024xf32, #tpu.memory_space<vmem>>, vector<1x16xf32>,
      %swap3A_247 = vector.shape_cast %swap3A_246 : vector<1x16xf32> to vector<16xf32>
      %swap3A_248 = vector.shape_cast %add3A_242 : vector<16xf32> to vector<1x16xf32>
      tpu.vector_store %arg5[%swap3A_244, %swap3A_245], %swap3A_248 {strides = array<i32>} : memref<16x1024xf32, #tpu.memory_space<vmem>>, vector<1x16xf32>,
      %get3A_249 = arith.constant 8 : i32
      %get3A_250 = arith.index_cast %get3A_249 : i32 to index
      %get3A_251 = arith.index_cast %mul3A_114 : i32 to index
      %get3A_252 = tpu.vector_load %arg5[%get3A_250, %get3A_251] {strides = array<i32>} : memref<16x1024xf32, #tpu.memory_space<vmem>>, vector<1x16xf32>,
      %get3A_253 = vector.shape_cast %get3A_252 : vector<1x16xf32> to vector<16xf32>
      %get3A_254 = arith.constant 8 : i32
      %get3A_255 = arith.index_cast %get3A_254 : i32 to index
      %get3A_256 = arith.index_cast %mul3A_114 : i32 to index
      %get3A_257 = tpu.vector_load %arg6[%get3A_255, %get3A_256] {strides = array<i32>} : memref<16x1024xf32, #tpu.memory_space<vmem>>, vector<1x16xf32>,
      %get3A_258 = vector.shape_cast %get3A_257 : vector<1x16xf32> to vector<16xf32>
      %add3A_259 = arith.addf %get3A_253, %get3A_258 : vector<16xf32>
      %swap3A_260 = arith.constant 8 : i32
      %swap3A_261 = arith.index_cast %swap3A_260 : i32 to index
      %swap3A_262 = arith.index_cast %mul3A_114 : i32 to index
      %swap3A_263 = tpu.vector_load %arg5[%swap3A_261, %swap3A_262] {strides = array<i32>} : memref<16x1024xf32, #tpu.memory_space<vmem>>, vector<1x16xf32>,
      %swap3A_264 = vector.shape_cast %swap3A_263 : vector<1x16xf32> to vector<16xf32>
      %swap3A_265 = vector.shape_cast %add3A_259 : vector<16xf32> to vector<1x16xf32>
      tpu.vector_store %arg5[%swap3A_261, %swap3A_262], %swap3A_265 {strides = array<i32>} : memref<16x1024xf32, #tpu.memory_space<vmem>>, vector<1x16xf32>,
      %get3A_266 = arith.constant 9 : i32
      %get3A_267 = arith.index_cast %get3A_266 : i32 to index
      %get3A_268 = arith.index_cast %mul3A_114 : i32 to index
      %get3A_269 = tpu.vector_load %arg5[%get3A_267, %get3A_268] {strides = array<i32>} : memref<16x1024xf32, #tpu.memory_space<vmem>>, vector<1x16xf32>,
      %get3A_270 = vector.shape_cast %get3A_269 : vector<1x16xf32> to vector<16xf32>
      %get3A_271 = arith.constant 9 : i32
      %get3A_272 = arith.index_cast %get3A_271 : i32 to index
      %get3A_273 = arith.index_cast %mul3A_114 : i32 to index
      %get3A_274 = tpu.vector_load %arg6[%get3A_272, %get3A_273] {strides = array<i32>} : memref<16x1024xf32, #tpu.memory_space<vmem>>, vector<1x16xf32>,
      %get3A_275 = vector.shape_cast %get3A_274 : vector<1x16xf32> to vector<16xf32>
      %add3A_276 = arith.addf %get3A_270, %get3A_275 : vector<16xf32>
      %swap3A_277 = arith.constant 9 : i32
      %swap3A_278 = arith.index_cast %swap3A_277 : i32 to index
      %swap3A_279 = arith.index_cast %mul3A_114 : i32 to index
      %swap3A_280 = tpu.vector_load %arg5[%swap3A_278, %swap3A_279] {strides = array<i32>} : memref<16x1024xf32, #tpu.memory_space<vmem>>, vector<1x16xf32>,
      %swap3A_281 = vector.shape_cast %swap3A_280 : vector<1x16xf32> to vector<16xf32>
      %swap3A_282 = vector.shape_cast %add3A_276 : vector<16xf32> to vector<1x16xf32>
      tpu.vector_store %arg5[%swap3A_278, %swap3A_279], %swap3A_282 {strides = array<i32>} : memref<16x1024xf32, #tpu.memory_space<vmem>>, vector<1x16xf32>,
      %get3A_283 = arith.constant 10 : i32
      %get3A_284 = arith.index_cast %get3A_283 : i32 to index
      %get3A_285 = arith.index_cast %mul3A_114 : i32 to index
      %get3A_286 = tpu.vector_load %arg5[%get3A_284, %get3A_285] {strides = array<i32>} : memref<16x1024xf32, #tpu.memory_space<vmem>>, vector<1x16xf32>,
      %get3A_287 = vector.shape_cast %get3A_286 : vector<1x16xf32> to vector<16xf32>
      %get3A_288 = arith.constant 10 : i32
      %get3A_289 = arith.index_cast %get3A_288 : i32 to index
      %get3A_290 = arith.index_cast %mul3A_114 : i32 to index
      %get3A_291 = tpu.vector_load %arg6[%get3A_289, %get3A_290] {strides = array<i32>} : memref<16x1024xf32, #tpu.memory_space<vmem>>, vector<1x16xf32>,
      %get3A_292 = vector.shape_cast %get3A_291 : vector<1x16xf32> to vector<16xf32>
      %add3A_293 = arith.addf %get3A_287, %get3A_292 : vector<16xf32>
      %swap3A_294 = arith.constant 10 : i32
      %swap3A_295 = arith.index_cast %swap3A_294 : i32 to index
      %swap3A_296 = arith.index_cast %mul3A_114 : i32 to index
      %swap3A_297 = tpu.vector_load %arg5[%swap3A_295, %swap3A_296] {strides = array<i32>} : memref<16x1024xf32, #tpu.memory_space<vmem>>, vector<1x16xf32>,
      %swap3A_298 = vector.shape_cast %swap3A_297 : vector<1x16xf32> to vector<16xf32>
      %swap3A_299 = vector.shape_cast %add3A_293 : vector<16xf32> to vector<1x16xf32>
      tpu.vector_store %arg5[%swap3A_295, %swap3A_296], %swap3A_299 {strides = array<i32>} : memref<16x1024xf32, #tpu.memory_space<vmem>>, vector<1x16xf32>,
      %get3A_300 = arith.constant 11 : i32
      %get3A_301 = arith.index_cast %get3A_300 : i32 to index
      %get3A_302 = arith.index_cast %mul3A_114 : i32 to index
      %get3A_303 = tpu.vector_load %arg5[%get3A_301, %get3A_302] {strides = array<i32>} : memref<16x1024xf32, #tpu.memory_space<vmem>>, vector<1x16xf32>,
      %get3A_304 = vector.shape_cast %get3A_303 : vector<1x16xf32> to vector<16xf32>
      %get3A_305 = arith.constant 11 : i32
      %get3A_306 = arith.index_cast %get3A_305 : i32 to index
      %get3A_307 = arith.index_cast %mul3A_114 : i32 to index
      %get3A_308 = tpu.vector_load %arg6[%get3A_306, %get3A_307] {strides = array<i32>} : memref<16x1024xf32, #tpu.memory_space<vmem>>, vector<1x16xf32>,
      %get3A_309 = vector.shape_cast %get3A_308 : vector<1x16xf32> to vector<16xf32>
      %add3A_310 = arith.addf %get3A_304, %get3A_309 : vector<16xf32>
      %swap3A_311 = arith.constant 11 : i32
      %swap3A_312 = arith.index_cast %swap3A_311 : i32 to index
      %swap3A_313 = arith.index_cast %mul3A_114 : i32 to index
      %swap3A_314 = tpu.vector_load %arg5[%swap3A_312, %swap3A_313] {strides = array<i32>} : memref<16x1024xf32, #tpu.memory_space<vmem>>, vector<1x16xf32>,
      %swap3A_315 = vector.shape_cast %swap3A_314 : vector<1x16xf32> to vector<16xf32>
      %swap3A_316 = vector.shape_cast %add3A_310 : vector<16xf32> to vector<1x16xf32>
      tpu.vector_store %arg5[%swap3A_312, %swap3A_313], %swap3A_316 {strides = array<i32>} : memref<16x1024xf32, #tpu.memory_space<vmem>>, vector<1x16xf32>,
      %get3A_317 = arith.constant 12 : i32
      %get3A_318 = arith.index_cast %get3A_317 : i32 to index
      %get3A_319 = arith.index_cast %mul3A_114 : i32 to index
      %get3A_320 = tpu.vector_load %arg5[%get3A_318, %get3A_319] {strides = array<i32>} : memref<16x1024xf32, #tpu.memory_space<vmem>>, vector<1x16xf32>,
      %get3A_321 = vector.shape_cast %get3A_320 : vector<1x16xf32> to vector<16xf32>
      %get3A_322 = arith.constant 12 : i32
      %get3A_323 = arith.index_cast %get3A_322 : i32 to index
      %get3A_324 = arith.index_cast %mul3A_114 : i32 to index
      %get3A_325 = tpu.vector_load %arg6[%get3A_323, %get3A_324] {strides = array<i32>} : memref<16x1024xf32, #tpu.memory_space<vmem>>, vector<1x16xf32>,
      %get3A_326 = vector.shape_cast %get3A_325 : vector<1x16xf32> to vector<16xf32>
      %add3A_327 = arith.addf %get3A_321, %get3A_326 : vector<16xf32>
      %swap3A_328 = arith.constant 12 : i32
      %swap3A_329 = arith.index_cast %swap3A_328 : i32 to index
      %swap3A_330 = arith.index_cast %mul3A_114 : i32 to index
      %swap3A_331 = tpu.vector_load %arg5[%swap3A_329, %swap3A_330] {strides = array<i32>} : memref<16x1024xf32, #tpu.memory_space<vmem>>, vector<1x16xf32>,
      %swap3A_332 = vector.shape_cast %swap3A_331 : vector<1x16xf32> to vector<16xf32>
      %swap3A_333 = vector.shape_cast %add3A_327 : vector<16xf32> to vector<1x16xf32>
      tpu.vector_store %arg5[%swap3A_329, %swap3A_330], %swap3A_333 {strides = array<i32>} : memref<16x1024xf32, #tpu.memory_space<vmem>>, vector<1x16xf32>,
      %get3A_334 = arith.constant 13 : i32
      %get3A_335 = arith.index_cast %get3A_334 : i32 to index
      %get3A_336 = arith.index_cast %mul3A_114 : i32 to index
      %get3A_337 = tpu.vector_load %arg5[%get3A_335, %get3A_336] {strides = array<i32>} : memref<16x1024xf32, #tpu.memory_space<vmem>>, vector<1x16xf32>,
      %get3A_338 = vector.shape_cast %get3A_337 : vector<1x16xf32> to vector<16xf32>
      %get3A_339 = arith.constant 13 : i32
      %get3A_340 = arith.index_cast %get3A_339 : i32 to index
      %get3A_341 = arith.index_cast %mul3A_114 : i32 to index
      %get3A_342 = tpu.vector_load %arg6[%get3A_340, %get3A_341] {strides = array<i32>} : memref<16x1024xf32, #tpu.memory_space<vmem>>, vector<1x16xf32>,
      %get3A_343 = vector.shape_cast %get3A_342 : vector<1x16xf32> to vector<16xf32>
      %add3A_344 = arith.addf %get3A_338, %get3A_343 : vector<16xf32>
      %swap3A_345 = arith.constant 13 : i32
      %swap3A_346 = arith.index_cast %swap3A_345 : i32 to index
      %swap3A_347 = arith.index_cast %mul3A_114 : i32 to index
      %swap3A_348 = tpu.vector_load %arg5[%swap3A_346, %swap3A_347] {strides = array<i32>} : memref<16x1024xf32, #tpu.memory_space<vmem>>, vector<1x16xf32>,
      %swap3A_349 = vector.shape_cast %swap3A_348 : vector<1x16xf32> to vector<16xf32>
      %swap3A_350 = vector.shape_cast %add3A_344 : vector<16xf32> to vector<1x16xf32>
      tpu.vector_store %arg5[%swap3A_346, %swap3A_347], %swap3A_350 {strides = array<i32>} : memref<16x1024xf32, #tpu.memory_space<vmem>>, vector<1x16xf32>,
      %get3A_351 = arith.constant 14 : i32
      %get3A_352 = arith.index_cast %get3A_351 : i32 to index
      %get3A_353 = arith.index_cast %mul3A_114 : i32 to index
      %get3A_354 = tpu.vector_load %arg5[%get3A_352, %get3A_353] {strides = array<i32>} : memref<16x1024xf32, #tpu.memory_space<vmem>>, vector<1x16xf32>,
      %get3A_355 = vector.shape_cast %get3A_354 : vector<1x16xf32> to vector<16xf32>
      %get3A_356 = arith.constant 14 : i32
      %get3A_357 = arith.index_cast %get3A_356 : i32 to index
      %get3A_358 = arith.index_cast %mul3A_114 : i32 to index
      %get3A_359 = tpu.vector_load %arg6[%get3A_357, %get3A_358] {strides = array<i32>} : memref<16x1024xf32, #tpu.memory_space<vmem>>, vector<1x16xf32>,
      %get3A_360 = vector.shape_cast %get3A_359 : vector<1x16xf32> to vector<16xf32>
      %add3A_361 = arith.addf %get3A_355, %get3A_360 : vector<16xf32>
      %swap3A_362 = arith.constant 14 : i32
      %swap3A_363 = arith.index_cast %swap3A_362 : i32 to index
      %swap3A_364 = arith.index_cast %mul3A_114 : i32 to index
      %swap3A_365 = tpu.vector_load %arg5[%swap3A_363, %swap3A_364] {strides = array<i32>} : memref<16x1024xf32, #tpu.memory_space<vmem>>, vector<1x16xf32>,
      %swap3A_366 = vector.shape_cast %swap3A_365 : vector<1x16xf32> to vector<16xf32>
      %swap3A_367 = vector.shape_cast %add3A_361 : vector<16xf32> to vector<1x16xf32>
      tpu.vector_store %arg5[%swap3A_363, %swap3A_364], %swap3A_367 {strides = array<i32>} : memref<16x1024xf32, #tpu.memory_space<vmem>>, vector<1x16xf32>,
      %get3A_368 = arith.constant 15 : i32
      %get3A_369 = arith.index_cast %get3A_368 : i32 to index
      %get3A_370 = arith.index_cast %mul3A_114 : i32 to index
      %get3A_371 = tpu.vector_load %arg5[%get3A_369, %get3A_370] {strides = array<i32>} : memref<16x1024xf32, #tpu.memory_space<vmem>>, vector<1x16xf32>,
      %get3A_372 = vector.shape_cast %get3A_371 : vector<1x16xf32> to vector<16xf32>
      %get3A_373 = arith.constant 15 : i32
      %get3A_374 = arith.index_cast %get3A_373 : i32 to index
      %get3A_375 = arith.index_cast %mul3A_114 : i32 to index
      %get3A_376 = tpu.vector_load %arg6[%get3A_374, %get3A_375] {strides = array<i32>} : memref<16x1024xf32, #tpu.memory_space<vmem>>, vector<1x16xf32>,
      %get3A_377 = vector.shape_cast %get3A_376 : vector<1x16xf32> to vector<16xf32>
      %add3A_378 = arith.addf %get3A_372, %get3A_377 : vector<16xf32>
      %swap3A_379 = arith.constant 15 : i32
      %swap3A_380 = arith.index_cast %swap3A_379 : i32 to index
      %swap3A_381 = arith.index_cast %mul3A_114 : i32 to index
      %swap3A_382 = tpu.vector_load %arg5[%swap3A_380, %swap3A_381] {strides = array<i32>} : memref<16x1024xf32, #tpu.memory_space<vmem>>, vector<1x16xf32>,
      %swap3A_383 = vector.shape_cast %swap3A_382 : vector<1x16xf32> to vector<16xf32>
      %swap3A_384 = vector.shape_cast %add3A_378 : vector<16xf32> to vector<1x16xf32>
      tpu.vector_store %arg5[%swap3A_380, %swap3A_381], %swap3A_384 {strides = array<i32>} : memref<16x1024xf32, #tpu.memory_space<vmem>>, vector<1x16xf32>,
    }
    %scan3A_54 = arith.constant 64 : i32
    %add3A_55 = arith.constant 0 : i32
    %add3A_56 = arith.addi %mul3A_2, %add3A_55 : i32
    %dma_start3A_57 = arith.constant 0 : i32
    %dma_start3A_58 = arith.constant 0 : i32
    %dma_start3A_59 = tpu.memref_slice %arg4[%dma_start3A_57, %add3A_56, %dma_start3A_58] : memref<1x1024x1024xf32, #tpu.memory_space<hbm>> -> memref<1x16x1024xf32, #tpu.memory_space<hbm>>
    %dma_start3A_60 = tpu.memref_squeeze %dma_start3A_59 : memref<1x16x1024xf32, #tpu.memory_space<hbm>> -> memref<16x1024xf32, #tpu.memory_space<hbm>>
    %dma_start3A_61 = arith.constant 0 : i32
    %dma_start3A_62 = tpu.memref_slice %arg4[%dma_start3A_57, %add3A_56, %dma_start3A_61] : memref<1x1024x1024xf32, #tpu.memory_space<hbm>> -> memref<1x16x1024xf32, #tpu.memory_space<hbm>>
    %dma_start3A_63 = tpu.memref_squeeze %dma_start3A_62 : memref<1x16x1024xf32, #tpu.memory_space<hbm>> -> memref<16x1024xf32, #tpu.memory_space<hbm>>
    tpu.enqueue_dma source(%arg5 : memref<16x1024xf32, #tpu.memory_space<vmem>>) target(%dma_start3A_63 : memref<16x1024xf32, #tpu.memory_space<hbm>>) target_semaphore(%arg11 : memref<!tpu.dma_semaphore, #tpu.memory_space<semaphore_mem>>)
    %dma_wait3A_64 = arith.constant 0 : i32
    %dma_wait3A_65 = arith.constant 0 : i32
    %dma_wait3A_66 = arith.constant 0 : i32
    %dma_wait3A_67 = tpu.memref_slice %arg2[%dma_wait3A_64, %dma_wait3A_65, %dma_wait3A_66] : memref<1x8192x1024xf32, #tpu.memory_space<hbm>> -> memref<1x16x1024xf32, #tpu.memory_space<hbm>>
    %dma_wait3A_68 = tpu.memref_squeeze %dma_wait3A_67 : memref<1x16x1024xf32, #tpu.memory_space<hbm>> -> memref<16x1024xf32, #tpu.memory_space<hbm>>
    %dma_wait3A_69 = arith.constant 0 : i32
    %dma_wait3A_70 = arith.constant 0 : i32
    %dma_wait3A_71 = tpu.memref_slice %arg2[%dma_wait3A_64, %dma_wait3A_69, %dma_wait3A_70] : memref<1x8192x1024xf32, #tpu.memory_space<hbm>> -> memref<1x16x1024xf32, #tpu.memory_space<hbm>>
    %dma_wait3A_72 = tpu.memref_squeeze %dma_wait3A_71 : memref<1x16x1024xf32, #tpu.memory_space<hbm>> -> memref<16x1024xf32, #tpu.memory_space<hbm>>
    tpu.wait_dma2 semaphore(%arg12 : memref<!tpu.dma_semaphore, #tpu.memory_space<semaphore_mem>>) src(%dma_wait3A_72 : memref<16x1024xf32, #tpu.memory_space<hbm>>) dst(%arg7 : memref<16x1024xf32, #tpu.memory_space<vmem>>)
    %dma_wait3A_73 = arith.constant 0 : i32
    %dma_wait3A_74 = arith.constant 0 : i32
    %dma_wait3A_75 = tpu.memref_slice %arg3[%dma_wait3A_73, %dma_wait3A_74] : memref<8192x1024xf32, #tpu.memory_space<hbm>> -> memref<16x1024xf32, #tpu.memory_space<hbm>>
    %dma_wait3A_76 = arith.constant 0 : i32
    %dma_wait3A_77 = arith.constant 0 : i32
    %dma_wait3A_78 = tpu.memref_slice %arg3[%dma_wait3A_76, %dma_wait3A_77] : memref<8192x1024xf32, #tpu.memory_space<hbm>> -> memref<16x1024xf32, #tpu.memory_space<hbm>>
    tpu.wait_dma2 semaphore(%arg13 : memref<!tpu.dma_semaphore, #tpu.memory_space<semaphore_mem>>) src(%dma_wait3A_78 : memref<16x1024xf32, #tpu.memory_space<hbm>>) dst(%arg8 : memref<16x1024xf32, #tpu.memory_space<vmem>>)
    %scan3A_79 = arith.constant 0 : i32
    %scan3A_80 = arith.constant 0 : i32
    %scan3A_81 = arith.constant 64 : i32
    %scan3A_82 = arith.addi %scan3A_80, %scan3A_81 : i32
    %scan3A_83 = arith.constant 1 : i32
    scf.for %scan3A_112 = %scan3A_80 to %scan3A_82 step %scan3A_83  : i32 {
      %mul3A_113 = arith.constant 16 : i32
      %mul3A_114 = arith.muli %scan3A_112, %mul3A_113 : i32
      %get3A = arith.constant 0 : i32
      %get3A_115 = arith.index_cast %get3A : i32 to index
      %get3A_116 = arith.index_cast %mul3A_114 : i32 to index
      %get3A_117 = tpu.vector_load %arg7[%get3A_115, %get3A_116] {strides = array<i32>} : memref<16x1024xf32, #tpu.memory_space<vmem>>, vector<1x16xf32>,
      %get3A_118 = vector.shape_cast %get3A_117 : vector<1x16xf32> to vector<16xf32>
      %get3A_119 = arith.constant 0 : i32
      %get3A_120 = arith.index_cast %get3A_119 : i32 to index
      %get3A_121 = arith.index_cast %mul3A_114 : i32 to index
      %get3A_122 = tpu.vector_load %arg8[%get3A_120, %get3A_121] {strides = array<i32>} : memref<16x1024xf32, #tpu.memory_space<vmem>>, vector<1x16xf32>,
      %get3A_123 = vector.shape_cast %get3A_122 : vector<1x16xf32> to vector<16xf32>
      %add3A_124 = arith.addf %get3A_118, %get3A_123 : vector<16xf32>
      %swap3A = arith.constant 0 : i32
      %swap3A_125 = arith.index_cast %swap3A : i32 to index
      %swap3A_126 = arith.index_cast %mul3A_114 : i32 to index
      %swap3A_127 = tpu.vector_load %arg7[%swap3A_125, %swap3A_126] {strides = array<i32>} : memref<16x1024xf32, #tpu.memory_space<vmem>>, vector<1x16xf32>,
      %swap3A_128 = vector.shape_cast %swap3A_127 : vector<1x16xf32> to vector<16xf32>
      %swap3A_129 = vector.shape_cast %add3A_124 : vector<16xf32> to vector<1x16xf32>
      tpu.vector_store %arg7[%swap3A_125, %swap3A_126], %swap3A_129 {strides = array<i32>} : memref<16x1024xf32, #tpu.memory_space<vmem>>, vector<1x16xf32>,
      %get3A_130 = arith.constant 1 : i32
      %get3A_131 = arith.index_cast %get3A_130 : i32 to index
      %get3A_132 = arith.index_cast %mul3A_114 : i32 to index
      %get3A_133 = tpu.vector_load %arg7[%get3A_131, %get3A_132] {strides = array<i32>} : memref<16x1024xf32, #tpu.memory_space<vmem>>, vector<1x16xf32>,
      %get3A_134 = vector.shape_cast %get3A_133 : vector<1x16xf32> to vector<16xf32>
      %get3A_135 = arith.constant 1 : i32
      %get3A_136 = arith.index_cast %get3A_135 : i32 to index
      %get3A_137 = arith.index_cast %mul3A_114 : i32 to index
      %get3A_138 = tpu.vector_load %arg8[%get3A_136, %get3A_137] {strides = array<i32>} : memref<16x1024xf32, #tpu.memory_space<vmem>>, vector<1x16xf32>,
      %get3A_139 = vector.shape_cast %get3A_138 : vector<1x16xf32> to vector<16xf32>
      %add3A_140 = arith.addf %get3A_134, %get3A_139 : vector<16xf32>
      %swap3A_141 = arith.constant 1 : i32
      %swap3A_142 = arith.index_cast %swap3A_141 : i32 to index
      %swap3A_143 = arith.index_cast %mul3A_114 : i32 to index
      %swap3A_144 = tpu.vector_load %arg7[%swap3A_142, %swap3A_143] {strides = array<i32>} : memref<16x1024xf32, #tpu.memory_space<vmem>>, vector<1x16xf32>,
      %swap3A_145 = vector.shape_cast %swap3A_144 : vector<1x16xf32> to vector<16xf32>
      %swap3A_146 = vector.shape_cast %add3A_140 : vector<16xf32> to vector<1x16xf32>
      tpu.vector_store %arg7[%swap3A_142, %swap3A_143], %swap3A_146 {strides = array<i32>} : memref<16x1024xf32, #tpu.memory_space<vmem>>, vector<1x16xf32>,
      %get3A_147 = arith.constant 2 : i32
      %get3A_148 = arith.index_cast %get3A_147 : i32 to index
      %get3A_149 = arith.index_cast %mul3A_114 : i32 to index
      %get3A_150 = tpu.vector_load %arg7[%get3A_148, %get3A_149] {strides = array<i32>} : memref<16x1024xf32, #tpu.memory_space<vmem>>, vector<1x16xf32>,
      %get3A_151 = vector.shape_cast %get3A_150 : vector<1x16xf32> to vector<16xf32>
      %get3A_152 = arith.constant 2 : i32
      %get3A_153 = arith.index_cast %get3A_152 : i32 to index
      %get3A_154 = arith.index_cast %mul3A_114 : i32 to index
      %get3A_155 = tpu.vector_load %arg8[%get3A_153, %get3A_154] {strides = array<i32>} : memref<16x1024xf32, #tpu.memory_space<vmem>>, vector<1x16xf32>,
      %get3A_156 = vector.shape_cast %get3A_155 : vector<1x16xf32> to vector<16xf32>
      %add3A_157 = arith.addf %get3A_151, %get3A_156 : vector<16xf32>
      %swap3A_158 = arith.constant 2 : i32
      %swap3A_159 = arith.index_cast %swap3A_158 : i32 to index
      %swap3A_160 = arith.index_cast %mul3A_114 : i32 to index
      %swap3A_161 = tpu.vector_load %arg7[%swap3A_159, %swap3A_160] {strides = array<i32>} : memref<16x1024xf32, #tpu.memory_space<vmem>>, vector<1x16xf32>,
      %swap3A_162 = vector.shape_cast %swap3A_161 : vector<1x16xf32> to vector<16xf32>
      %swap3A_163 = vector.shape_cast %add3A_157 : vector<16xf32> to vector<1x16xf32>
      tpu.vector_store %arg7[%swap3A_159, %swap3A_160], %swap3A_163 {strides = array<i32>} : memref<16x1024xf32, #tpu.memory_space<vmem>>, vector<1x16xf32>,
      %get3A_164 = arith.constant 3 : i32
      %get3A_165 = arith.index_cast %get3A_164 : i32 to index
      %get3A_166 = arith.index_cast %mul3A_114 : i32 to index
      %get3A_167 = tpu.vector_load %arg7[%get3A_165, %get3A_166] {strides = array<i32>} : memref<16x1024xf32, #tpu.memory_space<vmem>>, vector<1x16xf32>,
      %get3A_168 = vector.shape_cast %get3A_167 : vector<1x16xf32> to vector<16xf32>
      %get3A_169 = arith.constant 3 : i32
      %get3A_170 = arith.index_cast %get3A_169 : i32 to index
      %get3A_171 = arith.index_cast %mul3A_114 : i32 to index
      %get3A_172 = tpu.vector_load %arg8[%get3A_170, %get3A_171] {strides = array<i32>} : memref<16x1024xf32, #tpu.memory_space<vmem>>, vector<1x16xf32>,
      %get3A_173 = vector.shape_cast %get3A_172 : vector<1x16xf32> to vector<16xf32>
      %add3A_174 = arith.addf %get3A_168, %get3A_173 : vector<16xf32>
      %swap3A_175 = arith.constant 3 : i32
      %swap3A_176 = arith.index_cast %swap3A_175 : i32 to index
      %swap3A_177 = arith.index_cast %mul3A_114 : i32 to index
      %swap3A_178 = tpu.vector_load %arg7[%swap3A_176, %swap3A_177] {strides = array<i32>} : memref<16x1024xf32, #tpu.memory_space<vmem>>, vector<1x16xf32>,
      %swap3A_179 = vector.shape_cast %swap3A_178 : vector<1x16xf32> to vector<16xf32>
      %swap3A_180 = vector.shape_cast %add3A_174 : vector<16xf32> to vector<1x16xf32>
      tpu.vector_store %arg7[%swap3A_176, %swap3A_177], %swap3A_180 {strides = array<i32>} : memref<16x1024xf32, #tpu.memory_space<vmem>>, vector<1x16xf32>,
      %get3A_181 = arith.constant 4 : i32
      %get3A_182 = arith.index_cast %get3A_181 : i32 to index
      %get3A_183 = arith.index_cast %mul3A_114 : i32 to index
      %get3A_184 = tpu.vector_load %arg7[%get3A_182, %get3A_183] {strides = array<i32>} : memref<16x1024xf32, #tpu.memory_space<vmem>>, vector<1x16xf32>,
      %get3A_185 = vector.shape_cast %get3A_184 : vector<1x16xf32> to vector<16xf32>
      %get3A_186 = arith.constant 4 : i32
      %get3A_187 = arith.index_cast %get3A_186 : i32 to index
      %get3A_188 = arith.index_cast %mul3A_114 : i32 to index
      %get3A_189 = tpu.vector_load %arg8[%get3A_187, %get3A_188] {strides = array<i32>} : memref<16x1024xf32, #tpu.memory_space<vmem>>, vector<1x16xf32>,
      %get3A_190 = vector.shape_cast %get3A_189 : vector<1x16xf32> to vector<16xf32>
      %add3A_191 = arith.addf %get3A_185, %get3A_190 : vector<16xf32>
      %swap3A_192 = arith.constant 4 : i32
      %swap3A_193 = arith.index_cast %swap3A_192 : i32 to index
      %swap3A_194 = arith.index_cast %mul3A_114 : i32 to index
      %swap3A_195 = tpu.vector_load %arg7[%swap3A_193, %swap3A_194] {strides = array<i32>} : memref<16x1024xf32, #tpu.memory_space<vmem>>, vector<1x16xf32>,
      %swap3A_196 = vector.shape_cast %swap3A_195 : vector<1x16xf32> to vector<16xf32>
      %swap3A_197 = vector.shape_cast %add3A_191 : vector<16xf32> to vector<1x16xf32>
      tpu.vector_store %arg7[%swap3A_193, %swap3A_194], %swap3A_197 {strides = array<i32>} : memref<16x1024xf32, #tpu.memory_space<vmem>>, vector<1x16xf32>,
      %get3A_198 = arith.constant 5 : i32
      %get3A_199 = arith.index_cast %get3A_198 : i32 to index
      %get3A_200 = arith.index_cast %mul3A_114 : i32 to index
      %get3A_201 = tpu.vector_load %arg7[%get3A_199, %get3A_200] {strides = array<i32>} : memref<16x1024xf32, #tpu.memory_space<vmem>>, vector<1x16xf32>,
      %get3A_202 = vector.shape_cast %get3A_201 : vector<1x16xf32> to vector<16xf32>
      %get3A_203 = arith.constant 5 : i32
      %get3A_204 = arith.index_cast %get3A_203 : i32 to index
      %get3A_205 = arith.index_cast %mul3A_114 : i32 to index
      %get3A_206 = tpu.vector_load %arg8[%get3A_204, %get3A_205] {strides = array<i32>} : memref<16x1024xf32, #tpu.memory_space<vmem>>, vector<1x16xf32>,
      %get3A_207 = vector.shape_cast %get3A_206 : vector<1x16xf32> to vector<16xf32>
      %add3A_208 = arith.addf %get3A_202, %get3A_207 : vector<16xf32>
      %swap3A_209 = arith.constant 5 : i32
      %swap3A_210 = arith.index_cast %swap3A_209 : i32 to index
      %swap3A_211 = arith.index_cast %mul3A_114 : i32 to index
      %swap3A_212 = tpu.vector_load %arg7[%swap3A_210, %swap3A_211] {strides = array<i32>} : memref<16x1024xf32, #tpu.memory_space<vmem>>, vector<1x16xf32>,
      %swap3A_213 = vector.shape_cast %swap3A_212 : vector<1x16xf32> to vector<16xf32>
      %swap3A_214 = vector.shape_cast %add3A_208 : vector<16xf32> to vector<1x16xf32>
      tpu.vector_store %arg7[%swap3A_210, %swap3A_211], %swap3A_214 {strides = array<i32>} : memref<16x1024xf32, #tpu.memory_space<vmem>>, vector<1x16xf32>,
      %get3A_215 = arith.constant 6 : i32
      %get3A_216 = arith.index_cast %get3A_215 : i32 to index
      %get3A_217 = arith.index_cast %mul3A_114 : i32 to index
      %get3A_218 = tpu.vector_load %arg7[%get3A_216, %get3A_217] {strides = array<i32>} : memref<16x1024xf32, #tpu.memory_space<vmem>>, vector<1x16xf32>,
      %get3A_219 = vector.shape_cast %get3A_218 : vector<1x16xf32> to vector<16xf32>
      %get3A_220 = arith.constant 6 : i32
      %get3A_221 = arith.index_cast %get3A_220 : i32 to index
      %get3A_222 = arith.index_cast %mul3A_114 : i32 to index
      %get3A_223 = tpu.vector_load %arg8[%get3A_221, %get3A_222] {strides = array<i32>} : memref<16x1024xf32, #tpu.memory_space<vmem>>, vector<1x16xf32>,
      %get3A_224 = vector.shape_cast %get3A_223 : vector<1x16xf32> to vector<16xf32>
      %add3A_225 = arith.addf %get3A_219, %get3A_224 : vector<16xf32>
      %swap3A_226 = arith.constant 6 : i32
      %swap3A_227 = arith.index_cast %swap3A_226 : i32 to index
      %swap3A_228 = arith.index_cast %mul3A_114 : i32 to index
      %swap3A_229 = tpu.vector_load %arg7[%swap3A_227, %swap3A_228] {strides = array<i32>} : memref<16x1024xf32, #tpu.memory_space<vmem>>, vector<1x16xf32>,
      %swap3A_230 = vector.shape_cast %swap3A_229 : vector<1x16xf32> to vector<16xf32>
      %swap3A_231 = vector.shape_cast %add3A_225 : vector<16xf32> to vector<1x16xf32>
      tpu.vector_store %arg7[%swap3A_227, %swap3A_228], %swap3A_231 {strides = array<i32>} : memref<16x1024xf32, #tpu.memory_space<vmem>>, vector<1x16xf32>,
      %get3A_232 = arith.constant 7 : i32
      %get3A_233 = arith.index_cast %get3A_232 : i32 to index
      %get3A_234 = arith.index_cast %mul3A_114 : i32 to index
      %get3A_235 = tpu.vector_load %arg7[%get3A_233, %get3A_234] {strides = array<i32>} : memref<16x1024xf32, #tpu.memory_space<vmem>>, vector<1x16xf32>,
      %get3A_236 = vector.shape_cast %get3A_235 : vector<1x16xf32> to vector<16xf32>
      %get3A_237 = arith.constant 7 : i32
      %get3A_238 = arith.index_cast %get3A_237 : i32 to index
      %get3A_239 = arith.index_cast %mul3A_114 : i32 to index
      %get3A_240 = tpu.vector_load %arg8[%get3A_238, %get3A_239] {strides = array<i32>} : memref<16x1024xf32, #tpu.memory_space<vmem>>, vector<1x16xf32>,
      %get3A_241 = vector.shape_cast %get3A_240 : vector<1x16xf32> to vector<16xf32>
      %add3A_242 = arith.addf %get3A_236, %get3A_241 : vector<16xf32>
      %swap3A_243 = arith.constant 7 : i32
      %swap3A_244 = arith.index_cast %swap3A_243 : i32 to index
      %swap3A_245 = arith.index_cast %mul3A_114 : i32 to index
      %swap3A_246 = tpu.vector_load %arg7[%swap3A_244, %swap3A_245] {strides = array<i32>} : memref<16x1024xf32, #tpu.memory_space<vmem>>, vector<1x16xf32>,
      %swap3A_247 = vector.shape_cast %swap3A_246 : vector<1x16xf32> to vector<16xf32>
      %swap3A_248 = vector.shape_cast %add3A_242 : vector<16xf32> to vector<1x16xf32>
      tpu.vector_store %arg7[%swap3A_244, %swap3A_245], %swap3A_248 {strides = array<i32>} : memref<16x1024xf32, #tpu.memory_space<vmem>>, vector<1x16xf32>,
      %get3A_249 = arith.constant 8 : i32
      %get3A_250 = arith.index_cast %get3A_249 : i32 to index
      %get3A_251 = arith.index_cast %mul3A_114 : i32 to index
      %get3A_252 = tpu.vector_load %arg7[%get3A_250, %get3A_251] {strides = array<i32>} : memref<16x1024xf32, #tpu.memory_space<vmem>>, vector<1x16xf32>,
      %get3A_253 = vector.shape_cast %get3A_252 : vector<1x16xf32> to vector<16xf32>
      %get3A_254 = arith.constant 8 : i32
      %get3A_255 = arith.index_cast %get3A_254 : i32 to index
      %get3A_256 = arith.index_cast %mul3A_114 : i32 to index
      %get3A_257 = tpu.vector_load %arg8[%get3A_255, %get3A_256] {strides = array<i32>} : memref<16x1024xf32, #tpu.memory_space<vmem>>, vector<1x16xf32>,
      %get3A_258 = vector.shape_cast %get3A_257 : vector<1x16xf32> to vector<16xf32>
      %add3A_259 = arith.addf %get3A_253, %get3A_258 : vector<16xf32>
      %swap3A_260 = arith.constant 8 : i32
      %swap3A_261 = arith.index_cast %swap3A_260 : i32 to index
      %swap3A_262 = arith.index_cast %mul3A_114 : i32 to index
      %swap3A_263 = tpu.vector_load %arg7[%swap3A_261, %swap3A_262] {strides = array<i32>} : memref<16x1024xf32, #tpu.memory_space<vmem>>, vector<1x16xf32>,
      %swap3A_264 = vector.shape_cast %swap3A_263 : vector<1x16xf32> to vector<16xf32>
      %swap3A_265 = vector.shape_cast %add3A_259 : vector<16xf32> to vector<1x16xf32>
      tpu.vector_store %arg7[%swap3A_261, %swap3A_262], %swap3A_265 {strides = array<i32>} : memref<16x1024xf32, #tpu.memory_space<vmem>>, vector<1x16xf32>,
      %get3A_266 = arith.constant 9 : i32
      %get3A_267 = arith.index_cast %get3A_266 : i32 to index
      %get3A_268 = arith.index_cast %mul3A_114 : i32 to index
      %get3A_269 = tpu.vector_load %arg7[%get3A_267, %get3A_268] {strides = array<i32>} : memref<16x1024xf32, #tpu.memory_space<vmem>>, vector<1x16xf32>,
      %get3A_270 = vector.shape_cast %get3A_269 : vector<1x16xf32> to vector<16xf32>
      %get3A_271 = arith.constant 9 : i32
      %get3A_272 = arith.index_cast %get3A_271 : i32 to index
      %get3A_273 = arith.index_cast %mul3A_114 : i32 to index
      %get3A_274 = tpu.vector_load %arg8[%get3A_272, %get3A_273] {strides = array<i32>} : memref<16x1024xf32, #tpu.memory_space<vmem>>, vector<1x16xf32>,
      %get3A_275 = vector.shape_cast %get3A_274 : vector<1x16xf32> to vector<16xf32>
      %add3A_276 = arith.addf %get3A_270, %get3A_275 : vector<16xf32>
      %swap3A_277 = arith.constant 9 : i32
      %swap3A_278 = arith.index_cast %swap3A_277 : i32 to index
      %swap3A_279 = arith.index_cast %mul3A_114 : i32 to index
      %swap3A_280 = tpu.vector_load %arg7[%swap3A_278, %swap3A_279] {strides = array<i32>} : memref<16x1024xf32, #tpu.memory_space<vmem>>, vector<1x16xf32>,
      %swap3A_281 = vector.shape_cast %swap3A_280 : vector<1x16xf32> to vector<16xf32>
      %swap3A_282 = vector.shape_cast %add3A_276 : vector<16xf32> to vector<1x16xf32>
      tpu.vector_store %arg7[%swap3A_278, %swap3A_279], %swap3A_282 {strides = array<i32>} : memref<16x1024xf32, #tpu.memory_space<vmem>>, vector<1x16xf32>,
      %get3A_283 = arith.constant 10 : i32
      %get3A_284 = arith.index_cast %get3A_283 : i32 to index
      %get3A_285 = arith.index_cast %mul3A_114 : i32 to index
      %get3A_286 = tpu.vector_load %arg7[%get3A_284, %get3A_285] {strides = array<i32>} : memref<16x1024xf32, #tpu.memory_space<vmem>>, vector<1x16xf32>,
      %get3A_287 = vector.shape_cast %get3A_286 : vector<1x16xf32> to vector<16xf32>
      %get3A_288 = arith.constant 10 : i32
      %get3A_289 = arith.index_cast %get3A_288 : i32 to index
      %get3A_290 = arith.index_cast %mul3A_114 : i32 to index
      %get3A_291 = tpu.vector_load %arg8[%get3A_289, %get3A_290] {strides = array<i32>} : memref<16x1024xf32, #tpu.memory_space<vmem>>, vector<1x16xf32>,
      %get3A_292 = vector.shape_cast %get3A_291 : vector<1x16xf32> to vector<16xf32>
      %add3A_293 = arith.addf %get3A_287, %get3A_292 : vector<16xf32>
      %swap3A_294 = arith.constant 10 : i32
      %swap3A_295 = arith.index_cast %swap3A_294 : i32 to index
      %swap3A_296 = arith.index_cast %mul3A_114 : i32 to index
      %swap3A_297 = tpu.vector_load %arg7[%swap3A_295, %swap3A_296] {strides = array<i32>} : memref<16x1024xf32, #tpu.memory_space<vmem>>, vector<1x16xf32>,
      %swap3A_298 = vector.shape_cast %swap3A_297 : vector<1x16xf32> to vector<16xf32>
      %swap3A_299 = vector.shape_cast %add3A_293 : vector<16xf32> to vector<1x16xf32>
      tpu.vector_store %arg7[%swap3A_295, %swap3A_296], %swap3A_299 {strides = array<i32>} : memref<16x1024xf32, #tpu.memory_space<vmem>>, vector<1x16xf32>,
      %get3A_300 = arith.constant 11 : i32
      %get3A_301 = arith.index_cast %get3A_300 : i32 to index
      %get3A_302 = arith.index_cast %mul3A_114 : i32 to index
      %get3A_303 = tpu.vector_load %arg7[%get3A_301, %get3A_302] {strides = array<i32>} : memref<16x1024xf32, #tpu.memory_space<vmem>>, vector<1x16xf32>,
      %get3A_304 = vector.shape_cast %get3A_303 : vector<1x16xf32> to vector<16xf32>
      %get3A_305 = arith.constant 11 : i32
      %get3A_306 = arith.index_cast %get3A_305 : i32 to index
      %get3A_307 = arith.index_cast %mul3A_114 : i32 to index
      %get3A_308 = tpu.vector_load %arg8[%get3A_306, %get3A_307] {strides = array<i32>} : memref<16x1024xf32, #tpu.memory_space<vmem>>, vector<1x16xf32>,
      %get3A_309 = vector.shape_cast %get3A_308 : vector<1x16xf32> to vector<16xf32>
      %add3A_310 = arith.addf %get3A_304, %get3A_309 : vector<16xf32>
      %swap3A_311 = arith.constant 11 : i32
      %swap3A_312 = arith.index_cast %swap3A_311 : i32 to index
      %swap3A_313 = arith.index_cast %mul3A_114 : i32 to index
      %swap3A_314 = tpu.vector_load %arg7[%swap3A_312, %swap3A_313] {strides = array<i32>} : memref<16x1024xf32, #tpu.memory_space<vmem>>, vector<1x16xf32>,
      %swap3A_315 = vector.shape_cast %swap3A_314 : vector<1x16xf32> to vector<16xf32>
      %swap3A_316 = vector.shape_cast %add3A_310 : vector<16xf32> to vector<1x16xf32>
      tpu.vector_store %arg7[%swap3A_312, %swap3A_313], %swap3A_316 {strides = array<i32>} : memref<16x1024xf32, #tpu.memory_space<vmem>>, vector<1x16xf32>,
      %get3A_317 = arith.constant 12 : i32
      %get3A_318 = arith.index_cast %get3A_317 : i32 to index
      %get3A_319 = arith.index_cast %mul3A_114 : i32 to index
      %get3A_320 = tpu.vector_load %arg7[%get3A_318, %get3A_319] {strides = array<i32>} : memref<16x1024xf32, #tpu.memory_space<vmem>>, vector<1x16xf32>,
      %get3A_321 = vector.shape_cast %get3A_320 : vector<1x16xf32> to vector<16xf32>
      %get3A_322 = arith.constant 12 : i32
      %get3A_323 = arith.index_cast %get3A_322 : i32 to index
      %get3A_324 = arith.index_cast %mul3A_114 : i32 to index
      %get3A_325 = tpu.vector_load %arg8[%get3A_323, %get3A_324] {strides = array<i32>} : memref<16x1024xf32, #tpu.memory_space<vmem>>, vector<1x16xf32>,
      %get3A_326 = vector.shape_cast %get3A_325 : vector<1x16xf32> to vector<16xf32>
      %add3A_327 = arith.addf %get3A_321, %get3A_326 : vector<16xf32>
      %swap3A_328 = arith.constant 12 : i32
      %swap3A_329 = arith.index_cast %swap3A_328 : i32 to index
      %swap3A_330 = arith.index_cast %mul3A_114 : i32 to index
      %swap3A_331 = tpu.vector_load %arg7[%swap3A_329, %swap3A_330] {strides = array<i32>} : memref<16x1024xf32, #tpu.memory_space<vmem>>, vector<1x16xf32>,
      %swap3A_332 = vector.shape_cast %swap3A_331 : vector<1x16xf32> to vector<16xf32>
      %swap3A_333 = vector.shape_cast %add3A_327 : vector<16xf32> to vector<1x16xf32>
      tpu.vector_store %arg7[%swap3A_329, %swap3A_330], %swap3A_333 {strides = array<i32>} : memref<16x1024xf32, #tpu.memory_space<vmem>>, vector<1x16xf32>,
      %get3A_334 = arith.constant 13 : i32
      %get3A_335 = arith.index_cast %get3A_334 : i32 to index
      %get3A_336 = arith.index_cast %mul3A_114 : i32 to index
      %get3A_337 = tpu.vector_load %arg7[%get3A_335, %get3A_336] {strides = array<i32>} : memref<16x1024xf32, #tpu.memory_space<vmem>>, vector<1x16xf32>,
      %get3A_338 = vector.shape_cast %get3A_337 : vector<1x16xf32> to vector<16xf32>
      %get3A_339 = arith.constant 13 : i32
      %get3A_340 = arith.index_cast %get3A_339 : i32 to index
      %get3A_341 = arith.index_cast %mul3A_114 : i32 to index
      %get3A_342 = tpu.vector_load %arg8[%get3A_340, %get3A_341] {strides = array<i32>} : memref<16x1024xf32, #tpu.memory_space<vmem>>, vector<1x16xf32>,
      %get3A_343 = vector.shape_cast %get3A_342 : vector<1x16xf32> to vector<16xf32>
      %add3A_344 = arith.addf %get3A_338, %get3A_343 : vector<16xf32>
      %swap3A_345 = arith.constant 13 : i32
      %swap3A_346 = arith.index_cast %swap3A_345 : i32 to index
      %swap3A_347 = arith.index_cast %mul3A_114 : i32 to index
      %swap3A_348 = tpu.vector_load %arg7[%swap3A_346, %swap3A_347] {strides = array<i32>} : memref<16x1024xf32, #tpu.memory_space<vmem>>, vector<1x16xf32>,
      %swap3A_349 = vector.shape_cast %swap3A_348 : vector<1x16xf32> to vector<16xf32>
      %swap3A_350 = vector.shape_cast %add3A_344 : vector<16xf32> to vector<1x16xf32>
      tpu.vector_store %arg7[%swap3A_346, %swap3A_347], %swap3A_350 {strides = array<i32>} : memref<16x1024xf32, #tpu.memory_space<vmem>>, vector<1x16xf32>,
      %get3A_351 = arith.constant 14 : i32
      %get3A_352 = arith.index_cast %get3A_351 : i32 to index
      %get3A_353 = arith.index_cast %mul3A_114 : i32 to index
      %get3A_354 = tpu.vector_load %arg7[%get3A_352, %get3A_353] {strides = array<i32>} : memref<16x1024xf32, #tpu.memory_space<vmem>>, vector<1x16xf32>,
      %get3A_355 = vector.shape_cast %get3A_354 : vector<1x16xf32> to vector<16xf32>
      %get3A_356 = arith.constant 14 : i32
      %get3A_357 = arith.index_cast %get3A_356 : i32 to index
      %get3A_358 = arith.index_cast %mul3A_114 : i32 to index
      %get3A_359 = tpu.vector_load %arg8[%get3A_357, %get3A_358] {strides = array<i32>} : memref<16x1024xf32, #tpu.memory_space<vmem>>, vector<1x16xf32>,
      %get3A_360 = vector.shape_cast %get3A_359 : vector<1x16xf32> to vector<16xf32>
      %add3A_361 = arith.addf %get3A_355, %get3A_360 : vector<16xf32>
      %swap3A_362 = arith.constant 14 : i32
      %swap3A_363 = arith.index_cast %swap3A_362 : i32 to index
      %swap3A_364 = arith.index_cast %mul3A_114 : i32 to index
      %swap3A_365 = tpu.vector_load %arg7[%swap3A_363, %swap3A_364] {strides = array<i32>} : memref<16x1024xf32, #tpu.memory_space<vmem>>, vector<1x16xf32>,
      %swap3A_366 = vector.shape_cast %swap3A_365 : vector<1x16xf32> to vector<16xf32>
      %swap3A_367 = vector.shape_cast %add3A_361 : vector<16xf32> to vector<1x16xf32>
      tpu.vector_store %arg7[%swap3A_363, %swap3A_364], %swap3A_367 {strides = array<i32>} : memref<16x1024xf32, #tpu.memory_space<vmem>>, vector<1x16xf32>,
      %get3A_368 = arith.constant 15 : i32
      %get3A_369 = arith.index_cast %get3A_368 : i32 to index
      %get3A_370 = arith.index_cast %mul3A_114 : i32 to index
      %get3A_371 = tpu.vector_load %arg7[%get3A_369, %get3A_370] {strides = array<i32>} : memref<16x1024xf32, #tpu.memory_space<vmem>>, vector<1x16xf32>,
      %get3A_372 = vector.shape_cast %get3A_371 : vector<1x16xf32> to vector<16xf32>
      %get3A_373 = arith.constant 15 : i32
      %get3A_374 = arith.index_cast %get3A_373 : i32 to index
      %get3A_375 = arith.index_cast %mul3A_114 : i32 to index
      %get3A_376 = tpu.vector_load %arg8[%get3A_374, %get3A_375] {strides = array<i32>} : memref<16x1024xf32, #tpu.memory_space<vmem>>, vector<1x16xf32>,
      %get3A_377 = vector.shape_cast %get3A_376 : vector<1x16xf32> to vector<16xf32>
      %add3A_378 = arith.addf %get3A_372, %get3A_377 : vector<16xf32>
      %swap3A_379 = arith.constant 15 : i32
      %swap3A_380 = arith.index_cast %swap3A_379 : i32 to index
      %swap3A_381 = arith.index_cast %mul3A_114 : i32 to index
      %swap3A_382 = tpu.vector_load %arg7[%swap3A_380, %swap3A_381] {strides = array<i32>} : memref<16x1024xf32, #tpu.memory_space<vmem>>, vector<1x16xf32>,
      %swap3A_383 = vector.shape_cast %swap3A_382 : vector<1x16xf32> to vector<16xf32>
      %swap3A_384 = vector.shape_cast %add3A_378 : vector<16xf32> to vector<1x16xf32>
      tpu.vector_store %arg7[%swap3A_380, %swap3A_381], %swap3A_384 {strides = array<i32>} : memref<16x1024xf32, #tpu.memory_space<vmem>>, vector<1x16xf32>,
    }
    %scan3A_84 = arith.constant 64 : i32
    %add3A_85 = arith.constant 16 : i32
    %add3A_86 = arith.addi %mul3A_2, %add3A_85 : i32
    %dma_start3A_87 = arith.constant 0 : i32
    %dma_start3A_88 = arith.constant 0 : i32
    %dma_start3A_89 = tpu.memref_slice %arg4[%dma_start3A_87, %add3A_86, %dma_start3A_88] : memref<1x1024x1024xf32, #tpu.memory_space<hbm>> -> memref<1x16x1024xf32, #tpu.memory_space<hbm>>
    %dma_start3A_90 = tpu.memref_squeeze %dma_start3A_89 : memref<1x16x1024xf32, #tpu.memory_space<hbm>> -> memref<16x1024xf32, #tpu.memory_space<hbm>>
    %dma_start3A_91 = arith.constant 0 : i32
    %dma_start3A_92 = tpu.memref_slice %arg4[%dma_start3A_87, %add3A_86, %dma_start3A_91] : memref<1x1024x1024xf32, #tpu.memory_space<hbm>> -> memref<1x16x1024xf32, #tpu.memory_space<hbm>>
    %dma_start3A_93 = tpu.memref_squeeze %dma_start3A_92 : memref<1x16x1024xf32, #tpu.memory_space<hbm>> -> memref<16x1024xf32, #tpu.memory_space<hbm>>
    tpu.enqueue_dma source(%arg7 : memref<16x1024xf32, #tpu.memory_space<vmem>>) target(%dma_start3A_93 : memref<16x1024xf32, #tpu.memory_space<hbm>>) target_semaphore(%arg14 : memref<!tpu.dma_semaphore, #tpu.memory_space<semaphore_mem>>)
    %dma_wait3A_94 = arith.constant 0 : i32
    %dma_wait3A_95 = arith.constant 0 : i32
    %dma_wait3A_96 = arith.constant 0 : i32
    %dma_wait3A_97 = tpu.memref_slice %arg4[%dma_wait3A_94, %dma_wait3A_95, %dma_wait3A_96] : memref<1x1024x1024xf32, #tpu.memory_space<hbm>> -> memref<1x16x1024xf32, #tpu.memory_space<hbm>>
    %dma_wait3A_98 = tpu.memref_squeeze %dma_wait3A_97 : memref<1x16x1024xf32, #tpu.memory_space<hbm>> -> memref<16x1024xf32, #tpu.memory_space<hbm>>
    %dma_wait3A_99 = arith.constant 0 : i32
    %dma_wait3A_100 = arith.constant 0 : i32
    %dma_wait3A_101 = tpu.memref_slice %arg4[%dma_wait3A_94, %dma_wait3A_99, %dma_wait3A_100] : memref<1x1024x1024xf32, #tpu.memory_space<hbm>> -> memref<1x16x1024xf32, #tpu.memory_space<hbm>>
    %dma_wait3A_102 = tpu.memref_squeeze %dma_wait3A_101 : memref<1x16x1024xf32, #tpu.memory_space<hbm>> -> memref<16x1024xf32, #tpu.memory_space<hbm>>
    tpu.wait_dma2 semaphore(%arg11 : memref<!tpu.dma_semaphore, #tpu.memory_space<semaphore_mem>>) src(%arg5 : memref<16x1024xf32, #tpu.memory_space<vmem>>) dst(%dma_wait3A_102 : memref<16x1024xf32, #tpu.memory_space<hbm>>)
    %dma_wait3A_103 = arith.constant 0 : i32
    %dma_wait3A_104 = arith.constant 0 : i32
    %dma_wait3A_105 = arith.constant 0 : i32
    %dma_wait3A_106 = tpu.memref_slice %arg4[%dma_wait3A_103, %dma_wait3A_104, %dma_wait3A_105] : memref<1x1024x1024xf32, #tpu.memory_space<hbm>> -> memref<1x16x1024xf32, #tpu.memory_space<hbm>>
    %dma_wait3A_107 = tpu.memref_squeeze %dma_wait3A_106 : memref<1x16x1024xf32, #tpu.memory_space<hbm>> -> memref<16x1024xf32, #tpu.memory_space<hbm>>
    %dma_wait3A_108 = arith.constant 0 : i32
    %dma_wait3A_109 = arith.constant 0 : i32
    %dma_wait3A_110 = tpu.memref_slice %arg4[%dma_wait3A_103, %dma_wait3A_108, %dma_wait3A_109] : memref<1x1024x1024xf32, #tpu.memory_space<hbm>> -> memref<1x16x1024xf32, #tpu.memory_space<hbm>>
    %dma_wait3A_111 = tpu.memref_squeeze %dma_wait3A_110 : memref<1x16x1024xf32, #tpu.memory_space<hbm>> -> memref<16x1024xf32, #tpu.memory_space<hbm>>
    tpu.wait_dma2 semaphore(%arg14 : memref<!tpu.dma_semaphore, #tpu.memory_space<semaphore_mem>>) src(%arg7 : memref<16x1024xf32, #tpu.memory_space<vmem>>) dst(%dma_wait3A_111 : memref<16x1024xf32, #tpu.memory_space<hbm>>)
    return
  }
}

module attributes {stable_mosaic.version = 14 : i64} {
  func.func @_tc_body(%arg0: i32, %arg1: memref<1x1024x1024xf32, #tpu.memory_space<vmem>>, %arg2: memref<1024x1024xf32, #tpu.memory_space<vmem>>, %arg3: memref<1x1024x1024xf32, #tpu.memory_space<vmem>>) attributes {dimension_semantics = [#tpu.dimension_semantics<arbitrary>], iteration_bounds = array<i64: 7>, scalar_prefetch = 0 : i64, scratch_operands = 0 : i64, tpu.core_type = #tpu.core_type<tc>, window_params = [{transform_indices = @transform_0, window_bounds = array<i64: 1, 1024, 1024>}, {transform_indices = @transform_1, window_bounds = array<i64: 1024, 1024>}, {transform_indices = @transform_2, window_bounds = array<i64: 1, 1024, 1024>}]} {
    %get3A = arith.constant 0 : index
    %get3A_0 = arith.constant 0 : index
    %get3A_1 = arith.constant 0 : index
    %get3A_2 = vector.load %arg1[%get3A, %get3A_0, %get3A_1] : memref<1x1024x1024xf32, #tpu.memory_space<vmem>>, vector<1x1024x1024xf32>
    %get3A_3 = arith.constant 0 : index
    %get3A_4 = arith.constant 0 : index
    %get3A_5 = vector.load %arg2[%get3A_3, %get3A_4] : memref<1024x1024xf32, #tpu.memory_space<vmem>>, vector<1024x1024xf32>
    %broadcast_in_dim3A = vector.shape_cast %get3A_5 : vector<1024x1024xf32> to vector<1x1024x1024xf32>
    %add3A = arith.addf %get3A_2, %broadcast_in_dim3A : vector<1x1024x1024xf32>
    %swap3A = arith.constant 0 : index
    %swap3A_6 = arith.constant 0 : index
    %swap3A_7 = arith.constant 0 : index
    %swap3A_8 = vector.load %arg3[%swap3A, %swap3A_6, %swap3A_7] : memref<1x1024x1024xf32, #tpu.memory_space<vmem>>, vector<1x1024x1024xf32>
    tpu.vector_store %arg3[%swap3A, %swap3A_6, %swap3A_7], %add3A {strides = array<i32>} : memref<1x1024x1024xf32, #tpu.memory_space<vmem>>, vector<1x1024x1024xf32>,
    return
  }
  func.func @transform_0(%arg0: i32) -> (i32, i32, i32) {
    %c0_i32 = arith.constant 0 : i32
    %c0_i32_0 = arith.constant 0 : i32
    %c0_i32_1 = arith.constant 0 : i32
    return %c0_i32, %arg0, %c0_i32_0 : i32, i32, i32
  }
  func.func @transform_1(%arg0: i32) -> (i32, i32) {
    %c0_i32 = arith.constant 0 : i32
    %c0_i32_0 = arith.constant 0 : i32
    return %arg0, %c0_i32 : i32, i32
  }
  func.func @transform_2(%arg0: i32) -> (i32, i32, i32) {
    %c0_i32 = arith.constant 0 : i32
    %c0_i32_0 = arith.constant 0 : i32
    %c0_i32_1 = arith.constant 0 : i32
    return %c0_i32, %arg0, %c0_i32_0 : i32, i32, i32
  }
}

</mosaic_0001>

<sc_bundles>
// kernel: kernel.4.cloned.1.call-start
scs
__scs_entry_jumppad:
0x0: {  	(pc) =	sbr.rel $0x88, $3  }
0x1: {  	(tag) =	ssettag $0x0;
	lr =	simm.s32 $0x1  }
0x2: {  	[smem:$0x3F9F] =	sst lr;
	_ =	strace $0xD0000000  }
0x3: {  	_ = 	snop  }
0x4: {  	_ = 	snop  }
0x5: {  	_ = 	snop  }
0x6: {  	_ = 	snop  }
0x7: {  	_ = 	snop  }
__scs_overlays_trampoline_lowered:
0x8: {  	[smem:$0x3FAE] =	sst s0  }
0x9: {  	[smem:$0x3FAF] =	sst s1  }
0xa: {  	[smem:$0x3FB0] =	sst s2  }
0xb: {  	[smem:$0x3FB1] =	sst s3  }
0xc: {  	[smem:$0x3FB2] =	sst s4  }
0xd: {  	[smem:$0x3FB3] =	sst s5  }
0xe: {  	[smem:$0x3FB4] =	sst s6  }
0xf: {  	[smem:$0x3FB5] =	sst s7  }
0x10: {  	[smem:$0x3FB6] =	sst s8  }
0x11: {  	[smem:$0x3FB7] =	sst s9;
	s0 =	simm.s32 @!p0 $0x0  }
0x12: {  	s1 =	sld [smem:$0x3F9D];
	s0 =	simm.s32 @p0 $0x1  }
0x13: {  	[smem:$0x3FB8] =	sst s0;
	s0 =	simm.s32 @!p1 $0x0  }
0x14: {  	s2 =	sld [smem:$0x3F9C];
	s0 =	simm.s32 @p1 $0x1  }
0x15: {  	[smem:$0x3FB9] =	sst s0;
	s0 =	simm.s32 @!p2 $0x0  }
0x16: {  	s3 =	sld [smem:$0x3FDB];
	s0 =	simm.s32 @p2 $0x1  }
0x17: {  	s4 =	simm.s32 $0x1BF5;
	[smem:$0x3FBB] =	sst s0  }
0x18: {  	s0 =	sld [smem:$0x3F9E];
	_ =	swait.ge [sflag:s4], $0x0  }
0x19: {  	s7 =	sld [smem:$0x3F9F]  }
0x1a: {  	s8 =	sadd.s32 $0xFFFFE003, lr  }
0x1b: {  	s9 =	sadd.s32 $0xFFFFFEF7, lr;
	s5 =	simm.s32 $0xFFFFFFFF;
	p2 =	slt.u32 s8, $0xFFFFF086  }
0x1c: {  	p1 =	slt.u32 s9, $0xF7A;
	s5 =	simm.s32 @!p2 $0x0  }
0x1d: {  	s5 =	simm.s32 @p1 $0x1;
	p0 =	seq.s32 s7, s2  }
0x1e: {  	s7 =	smul.u32 @!p0 $0xF7A, s2;
	p2 =	seq.s32 @!p0 s5, $0x0  }
0x1f: {  	s9 =	smul.u32 $0xF7A, s1;
	s8 =	simm.s32 @!p0 $0x1BF5;
	p2 =	por !p2, p0  }
0x20: {  	[sflag:s8] =	ssyncset.s32 @!p0 $0xFFFFF086;
	s6 =	sadd.s32 @!p0 s3, s7;
	s7 =	simm.s32 @!p0 $0x108  }
0x21: {  	s3 =	sadd.s32 s3, s9;
	s6 =	sadd.s32 @!p0 $0x88, s6;
	s7 =	simm.s32 @p2 $0x1082  }
0x22: {  	[simem:s7], [sflag:s8] =	dma.local @!p0 [hbm:s6], $0xF7A  }
0x23: {  	s9 =	sor.u32 $0xD0000000, s2;
	s6 =	simm.s32 $0x108;
	_ =	swait.ge @!p0 [sflag:s8], $0x0  }
0x24: {  	s3 =	sadd.s32 $0x88, s3;
	s6 =	simm.s32 @!p1 $0x1082;
	[sflag:s4] =	ssyncset.s32 $0xFFFFF086  }
0x25: {  	[simem:s6], [sflag:s4] =	dma.local [hbm:s3], $0xF7A  }
0x26: {  	[smem:$0x3F9F] =	sst s1;
	(tag) =	ssettag s2;
	_ =	strace s9  }
0x27: {  	s1 =	sld [smem:$0x3FAF]  }
0x28: {  	s2 =	sld [smem:$0x3FB0]  }
0x29: {  	s4 =	sld [smem:$0x3FB2]  }
0x2a: {  	p0 =	seq.s32 s5, $0x0;
	s5 =	sld [smem:$0x3FB3]  }
0x2b: {  	s6 =	sld [smem:$0x3FB4]  }
0x2c: {  	s7 =	sld [smem:$0x3FB5]  }
0x2d: {  	s3 =	simm.s32 $0x108;
	s8 =	sld [smem:$0x3FB6]  }
0x2e: {  	s3 =	simm.s32 @!p0 $0x1082;
	s9 =	sld [smem:$0x3FB7]  }
0x2f: {  	lr =	sadd.s32 s0, s3;
	s0 =	sld [smem:$0x3FAE]  }
0x30: {  	s3 =	sld [smem:$0x3FB1]  }
0x31: {  	[smem:$0x3FBA] =	sst s10  }
0x32: {  	s10 =	sld [smem:$0x3FB8];
	_ =	sdelay $0x3  }
0x33: {  	p0 =	seq.s32 s10, $0x1;
	s10 =	sld [smem:$0x3FBA];
	_ =	sdelay $0x3  }
0x34: {  	[smem:$0x3FBA] =	sst s10  }
0x35: {  	s10 =	sld [smem:$0x3FB9];
	_ =	sdelay $0x3  }
0x36: {  	p1 =	seq.s32 s10, $0x1;
	s10 =	sld [smem:$0x3FBA];
	_ =	sdelay $0x3  }
0x37: {  	[smem:$0x3FBA] =	sst s10  }
0x38: {  	s10 =	sld [smem:$0x3FBB]  }
0x39: {  	_ = 	snop;
	(pc) =	sbr.ind lr, $3  }
0x3a: {  	_ = 	snop  }
0x3b: {  	_ = 	snop  }
0x3c: {  	p2 =	seq.s32 s10, $0x1;
	s10 =	sld [smem:$0x3FBA]  }
0x3d: {  	_ =	shalt  }
0x3e: {  	_ =	shalt  }
0x3f: {  	_ =	shalt  }
0x40: {  	_ =	shalt  }
0x41: {  	_ =	shalt  }
0x42: {  	_ =	shalt  }
0x43: {  	_ =	shalt  }
0x44: {  	_ =	shalt  }
0x45: {  	_ =	shalt  }
0x46: {  	_ =	shalt  }
0x47: {  	_ =	shalt  }
0x48: {  	_ =	shalt  }
0x49: {  	_ =	shalt  }
0x4a: {  	_ =	shalt  }
0x4b: {  	_ =	shalt  }
0x4c: {  	_ =	shalt  }
0x4d: {  	_ =	shalt  }
0x4e: {  	_ =	shalt  }
0x4f: {  	_ =	shalt  }
0x50: {  	_ =	shalt  }
0x51: {  	_ =	shalt  }
0x52: {  	_ =	shalt  }
0x53: {  	_ =	shalt  }
0x54: {  	_ =	shalt  }
0x55: {  	_ =	shalt  }
0x56: {  	_ =	shalt  }
0x57: {  	_ =	shalt  }
0x58: {  	_ =	shalt  }
0x59: {  	_ =	shalt  }
0x5a: {  	_ =	shalt  }
0x5b: {  	_ =	shalt  }
0x5c: {  	_ =	shalt  }
0x5d: {  	_ =	shalt  }
0x5e: {  	_ =	shalt  }
0x5f: {  	_ =	shalt  }
0x60: {  	_ =	shalt  }
0x61: {  	_ =	shalt  }
0x62: {  	_ =	shalt  }
0x63: {  	_ =	shalt  }
0x64: {  	_ =	shalt  }
0x65: {  	_ =	shalt  }
0x66: {  	_ =	shalt  }
0x67: {  	_ =	shalt  }
0x68: {  	_ =	shalt  }
0x69: {  	_ =	shalt  }
0x6a: {  	_ =	shalt  }
0x6b: {  	_ =	shalt  }
0x6c: {  	_ =	shalt  }
0x6d: {  	_ =	shalt  }
0x6e: {  	_ =	shalt  }
0x6f: {  	_ =	shalt  }
0x70: {  	_ =	shalt  }
0x71: {  	_ =	shalt  }
0x72: {  	_ =	shalt  }
0x73: {  	_ =	shalt  }
0x74: {  	_ =	shalt  }
0x75: {  	_ =	shalt  }
0x76: {  	_ =	shalt  }
0x77: {  	_ =	shalt  }
0x78: {  	_ =	shalt  }
0x79: {  	_ =	shalt  }
0x7a: {  	_ =	shalt  }
0x7b: {  	_ =	shalt  }
0x7c: {  	_ =	shalt  }
0x7d: {  	_ =	shalt  }
0x7e: {  	_ =	shalt  }
0x7f: {  	_ =	shalt  }
0x80: {  	_ =	shalt  }
0x81: {  	_ =	shalt  }
0x82: {  	_ =	shalt  }
0x83: {  	_ =	shalt  }
0x84: {  	_ =	shalt  }
0x85: {  	_ =	shalt  }
0x86: {  	_ =	shalt  }
0x87: {  	_ =	shalt  }
.Lfunc_end0:
.L_simem_size_0:
called_computation_lowered:
.L_overlay_start_0:
0x88: {  	s2 =	sld [smem:$0x3FD9]  }
0x89: {  	s3 =	sld [smem:$0x3FFE];
	_ =	sdelay $0x1  }
0x8a: {  	s1 =	srdreg.scid  }
0x8b: {  	s0 =	sand.u32 $0x1, s1  }
0x8c: {  	s17 =	sshll.u32 s0, $0xA;
	s2 =	sadd.s32 s3, s2  }
0x8d: {  	s2 =	sadd.s32 s2, s17  }
0x8e: {  	[smem:$0x3FC6] =	sst s2  }
0x8f: {  	_ = 	snop  }
0x90: {  	s2 =	sld [smem:$0x3FC9]  }
0x91: {  	s18 =	sld [smem:$0x3FC8];
	(tm) =	ssettm $0x1  }
0x92: {  	s4 =	sld [smem:$0x3FFB];
	_ =	sdelay $0x3  }
0x93: {  	_ =	strace s4  }
0x94: {  	s4 =	sld [smem:$0x3FFC];
	_ =	sdelay $0x3  }
0x95: {  	_ =	strace s4  }
0x96: {  	s4 =	sld [smem:$0x3FFD];
	_ =	sdelay $0x3  }
0x97: {  	_ =	strace s4  }
0x98: {  	_ =	strace $0x8FFFFFFF  }
0x99: {  	s19 =	sld [smem:$0x3FDB];
	_ =	sdelay $0x1  }
0x9a: {  	s5 =	simm.s32 $_scs_section_size  }
0x9b: {  	s6 =	simm.s32 $_size__tile_overlayer_lowered;
	s7 =	simm.s32 $_tile_overlayer_lowered  }
0x9c: {  	s22 =	simm.s32 $0x1BFF;
	s21 =	sshll.u32 s7, $0x1;
	s4 =	sadd.s32 s5, s19  }
0x9d: {  	s8 =	simm.s32 $0x0;
	s20 =	sshll.u32 s6, $0x1;
	s6 =	sadd.s32 s21, s4  }
0x9e: {  	[timem:s8], [sflag:s22] =	dma.local [hbm:s6], s20  }
0x9f: {  	_ =	swait.ge [sflag:s22], s20  }
0xa0: {  	s5 =	ssub.s32 $0x0, s20;
	[sflag:s22] =	ssyncset.done $0x0  }
0xa1: {  	[sflag:s22] =	ssyncadd.s32 s5;
	_ =	sdelay $0x1  }
0xa2: {  	s23 =	simm.s32 $0x1B8B  }
0xa3: {  	_ =	swait.ge [sflag:s23], $0x1  }
0xa4: {  	[sflag:s23] =	ssyncset.done $0x0  }
0xa5: {  	s25 =	simm.s32 $0x1B8E;
	s24 =	sld [smem:$0x3FFE];
	[sflag:s23] =	ssyncadd.s32 $0xFFFFFFFF  }
0xa6: {  	s26 =	simm.s32 $execute0_lowered;
	[smem:$0x3FD2] =	sst s25  }
0xa7: {  	s6 =	sshll.u32 s26, $0x1;
	_ =	strace $0x80000046;
	[dreg:$0x1] =	wrdreg $0xFFFFFFFF  }
0xa8: {  	s28 =	simm.s32 $_size_execute0_lowered;
	s4 =	sadd.s32 s4, s6;
	[dreg:$0x0] =	wrdreg $0x0  }
0xa9: {  	s6 =	sshll.u32 s28, $0x1;
	[dreg:$0x2] =	wrdreg s4  }
0xaa: {  	[dreg:$0x3] =	wrdreg s6  }
0xab: {  	[dreg:$0x4] =	wrdreg $0xC0  }
0xac: {  	_ =	task [dreg:s8], $0x5FFFF  }
0xad: {  	[dreg:$0x1] =	wrdreg $0xFFFFFFFF  }
0xae: {  	[dreg:$0x0] =	wrdreg $0x60  }
0xaf: {  	[dreg:$0x2] =	wrdreg s2  }
0xb0: {  	[dreg:$0x3] =	wrdreg s18  }
0xb1: {  	[dreg:$0x4] =	wrdreg s24  }
0xb2: {  	[dreg:$0x5] =	wrdreg $0x9  }
0xb3: {  	_ =	task.clear_ibuf [dreg:s8], $0x6FFFF;
	_ =	strace $0x90000046  }
0xb4: {  	s29 =	simm.s32 $0x9;
	_ =	strace $0x80000048  }
0xb5: {  	_ =	swait.ge [sflag:s29], $0x1  }
0xb6: {  	[sflag:s29] =	ssyncadd.s32 $0xFFFFFFFF  }
0xb7: {  	_ =	strace $0x90000048  }
0xb8: {  	_ =	sfence  }
0xb9: {  	s30 =	sld [smem:$0x0];
	_ =	sdelay $0x2  }
0xba: {  	s31 =	sshll.u32 s1, $0xD;
	s1 =	sshrl.u32 s1, $0x2  }
0xbb: {  	s3 =	sand.u32 $0x4000, s31;
	s1 =	sadd.s32 s1, s30  }
0xbc: {  	s0 =	sor.u32 s3, s0;
	s1 =	sshll.u32 s1, $0x11  }
0xbd: {  	s0 =	sor.u32 s1, s0  }
0xbe: {  	s0 =	sadd.s32 $0x8F2B, s0  }
0xbf: {  	[sflag:s0] =	ssyncadd.remote.s32 $0x1  }
0xc0: {  	_ =	sfence.sel $0xFFFF  }
0xc1: {  	[dreg:$0x0] =	wrdreg $0xFFFFFFFF;
	(pc) =	sbr.abs _section_cstart, $3  }
0xc2: {  	[dreg:$0x1] =	wrdreg $0xFFFFFFFF  }
0xc3: {  	_ =	task.clear_ibuf [dreg:s8], $0x2FFFF;
	_ =	strace $0x9FFFFFFF  }
0xc4: {  	(tm) =	ssettm $0x7FFFFFFF  }
0xc5: {  	_ =	shalt  }
tec
execute0_lowered:
.L_overlay_start_1:
0x0: {  	(tag) =	ssettag $0x1  }
0x1: {  	s5 =	rddreg [dreg:$0x0]  }
0x2: {  	s6 =	rddreg [dreg:$0x1]  }
0x3: {  	s3 =	rddreg [dreg:$0x2]  }
0x4: {  	s0 =	rddreg [dreg:$0x3];
	s2 =	simm.s32 $0x0;
	s4 =	srdreg.scid  }
0x5: {  	s1 =	stileid.u32;
	s11 =	simm.s32 $0x8000;
	s12 =	simm.s32 $0xC000  }
0x6: {  	s13 =	simm.s32 $0x1;
	s14 =	simm.s32 $0x2;
	s15 =	simm.s32 $0x4  }
0x7: {  	s16 =	simm.s32 $0x5;
	s17 =	simm.s32 $0x3;
	s18 =	simm.s32 $0x6  }
0x8: {  	s19 =	simm.s32 $0x0;
	[smem:$0x7FF] =	sst s2;
	s4 =	sand.u32 $0x1, s4  }
0x9: {  	s7 =	sshll.u32 s1, $0xD;
	s8 =	sshll.u32 s4, $0xC;
	s4 =	ssub.s32 $0x2, s4  }
0xa: {  	_ =	strace $0x80000047;
	s7 =	sor.u32 s8, s7;
	s30 =	sshrl.u32 s4, $0x1  }
0xb: {  	s9 =	sadd.s32 s7, s3;
	s10 =	ssub.s32 s4, s30;
	s31 =	sor.u32 $0xE0000, s7  }
0xc: {  	s7 =	sor.u32 $0xE0800, s7;
	s3 =	sadd.s32 s5, s31;
	s4 =	sadd.s32 s6, s31  }
0xd: {  	s5 =	sadd.s32 s5, s7;
	s6 =	sadd.s32 s6, s7;
	s7 =	sadd.s32 $0x400, s9  }
0xe: {  	s8 =	sadd.s32 $0xC00, s9;
	s9 =	smax.u32 s10, $0x1;
	s10 =	simm.s32 $0x4000  }
.LBB2_1:
0xf: {  	[tilespmem:s2], [sflag:$0x1] =	stream.linear.gather [hbm4b:s3+s2], $0x4000, $0x38;
	[tilespmem:$0x10000] =	vst v63  }
0x10: {  	_ = 	snop  }
0x11: {  	[tilespmem:s10], [sflag:$0x2] =	stream.linear.gather [hbm4b:s4+s2], $0x4000, $0x38;
	[tilespmem:$0x10000] =	vst v63  }
0x12: {  	_ = 	snop  }
0x13: {  	[tilespmem:s11], [sflag:$0x4] =	stream.linear.gather [hbm4b:s5+s2], $0x4000, $0x38;
	[tilespmem:$0x10000] =	vst v63  }
0x14: {  	_ = 	snop  }
0x15: {  	[tilespmem:s12], [sflag:$0x5] =	stream.linear.gather [hbm4b:s6+s2], $0x4000, $0x38;
	[tilespmem:$0x10000] =	vst v63  }
0x16: {  	_ =	swait.ge [sflag:s13], $0x4000  }
0x17: {  	[sflag:s13] =	ssyncset.done $0x0  }
0x18: {  	[sflag:s13] =	ssyncadd.s32 $0xFFFFC000  }
0x19: {  	_ =	swait.ge [sflag:s14], $0x4000  }
0x1a: {  	s20 =	sand.u32 $0x70, s2;
	s21 =	sand.u32 $0x1C00, s2;
	[sflag:s14] =	ssyncset.done $0x0  }
0x1b: {  	s20 =	sor.u32 s20, s21;
	[sflag:s14] =	ssyncadd.s32 $0xFFFFC000  }
0x1c: {  	v0 =	vld [tilespmem:s20+$0x180]  }
0x1d: {  	v1 =	vld [tilespmem:s20+$0x0]  }
0x1e: {  	v2 =	vld [tilespmem:s20+$0x300]  }
0x1f: {  	v3 =	vld [tilespmem:s20+$0x200]  }
0x20: {  	v4 =	vld [tilespmem:s20+$0x100]  }
0x21: {  	v5 =	vld [tilespmem:s20+$0x280]  }
0x22: {  	v6 =	vld [tilespmem:s20+$0x80]  }
0x23: {  	v7 =	vld [tilespmem:s20+$0x4080]  }
0x24: {  	s22 =	simm.s32 $0x10;
	s23 =	simm.s32 $0x0;
	s21 =	sor.u32 s2, s2;
	v8 =	vld [tilespmem:s20+$0x4280]  }
.LBB2_2:
0x25: {  	p0 =	sne.s32 s22, $0x3F0  }
0x26: {  	v9 =	vld [tilespmem:s20+$0x4180];
	s23 =	sadd.s32 $0x80, s23;
	s25 =	smov.u32 s22;
	s22 =	sadd.s32 $0x10, s22  }
0x27: {  	s24 =	sor.u32 s25, s23;
	v10 =	vld [tilespmem:s20+$0x4100]  }
0x28: {  	v11 =	vld [tilespmem:s20+$0x4200]  }
0x29: {  	v12 =	vld [tilespmem:s20+$0x4300]  }
0x2a: {  	v6 =	vadd.f32 v7, v6;
	v13 =	vld [tilespmem:s20+$0x4000];
	v5 =	vadd.f32 v8, v5  }
0x2b: {  	v0 =	vadd.f32 v9, v0  }
0x2c: {  	v4 =	vadd.f32 v10, v4;
	[tilespmem:s20+$0x280] =	vst v5  }
0x2d: {  	[tilespmem:s20+$0x180] =	vst v0;
	v0 =	vadd.f32 v11, v3  }
0x2e: {  	[tilespmem:s20+$0x80] =	vst v6;
	v2 =	vadd.f32 v12, v2  }
0x2f: {  	v1 =	vadd.f32 v13, v1;
	[tilespmem:s20+$0x100] =	vst v4  }
0x30: {  	[tilespmem:s20+$0x300] =	vst v2  }
0x31: {  	[tilespmem:s20+$0x200] =	vst v0  }
0x32: {  	s26 =	sor.u32 $0x380, s21;
	[tilespmem:s20+$0x0] =	vst v1  }
0x33: {  	v0 =	vld [tilespmem:s26+$0x0]  }
0x34: {  	v1 =	vld [tilespmem:s26+$0x4000];
	_ =	sdelay $0x4  }
0x35: {  	v0 =	vadd.f32 v1, v0;
	_ =	sdelay $0x1  }
0x36: {  	s25 =	sand.u32 $0x70, s25;
	s28 =	sand.u32 $0x1C00, s23;
	[tilespmem:s26+$0x0] =	vst v0  }
0x37: {  	s25 =	sor.u32 s25, s28;
	v0 =	vld [tilespmem:s20+$0x2000]  }
0x38: {  	v1 =	vld [tilespmem:s20+$0x6000]  }
0x39: {  	v2 =	vld [tilespmem:s20+$0x2080]  }
0x3a: {  	v3 =	vld [tilespmem:s20+$0x6080]  }
0x3b: {  	v4 =	vld [tilespmem:s20+$0x6300]  }
0x3c: {  	v5 =	vld [tilespmem:s20+$0x2300]  }
0x3d: {  	v0 =	vadd.f32 v1, v0;
	v1 =	vld [tilespmem:s20+$0x6280]  }
0x3e: {  	v6 =	vld [tilespmem:s20+$0x6180]  }
0x3f: {  	[tilespmem:s20+$0x2000] =	vst v0;
	v0 =	vadd.f32 v3, v2;
	v2 =	vld [tilespmem:s20+$0x6200]  }
0x40: {  	v3 =	vld [tilespmem:s20+$0x2280]  }
0x41: {  	[tilespmem:s20+$0x2080] =	vst v0;
	v7 =	vld [tilespmem:s20+$0x2200];
	v0 =	vadd.f32 v4, v5  }
0x42: {  	v4 =	vld [tilespmem:s20+$0x2180]  }
0x43: {  	v5 =	vld [tilespmem:s20+$0x6100];
	[tilespmem:s20+$0x2300] =	vst v0  }
0x44: {  	v8 =	vld [tilespmem:s20+$0x2100]  }
0x45: {  	v0 =	vld [tilespmem:s25+$0x180];
	v1 =	vadd.f32 v1, v3  }
0x46: {  	v2 =	vadd.f32 v2, v7  }
0x47: {  	v3 =	vadd.f32 v6, v4;
	[tilespmem:s20+$0x2280] =	vst v1  }
0x48: {  	[tilespmem:s20+$0x2200] =	vst v2  }
0x49: {  	v1 =	vadd.f32 v5, v8  }
0x4a: {  	[tilespmem:s20+$0x2180] =	vst v3  }
0x4b: {  	s26 =	sor.u32 $0x2380, s21;
	s21 =	smov.u32 s24;
	[tilespmem:s20+$0x2100] =	vst v1;
	s20 =	smov.u32 s25  }
0x4c: {  	v5 =	vld [tilespmem:s26+$0x0]  }
0x4d: {  	v6 =	vld [tilespmem:s26+$0x4000];
	_ =	sdelay $0x1  }
0x4e: {  	v1 =	vld [tilespmem:s20+$0x0]  }
0x4f: {  	v2 =	vld [tilespmem:s20+$0x300]  }
0x50: {  	v3 =	vld [tilespmem:s20+$0x200]  }
.Ltmp0:
0x51: {  	v4 =	vld [tilespmem:s20+$0x100];
	v7 =	vadd.f32 v6, v5;
	(pc) =	sbr.rel @p0 .LBB2_2-.Ltmp0, $4  }
0x52: {  	v5 =	vld [tilespmem:s20+$0x280]  }
0x53: {  	v6 =	vld [tilespmem:s20+$0x80];
	[tilespmem:s26+$0x0] =	vst v7  }
0x54: {  	v7 =	vld [tilespmem:s20+$0x4080]  }
0x55: {  	v8 =	vld [tilespmem:s20+$0x4280]  }
0x56: {  	v9 =	vld [tilespmem:s20+$0x4180]  }
0x57: {  	v10 =	vld [tilespmem:s20+$0x4100]  }
0x58: {  	v11 =	vld [tilespmem:s20+$0x4300]  }
0x59: {  	v12 =	vld [tilespmem:s20+$0x4200];
	v6 =	vadd.f32 v7, v6  }
0x5a: {  	v5 =	vadd.f32 v8, v5;
	v8 =	vld [tilespmem:s20+$0x4000]  }
0x5b: {  	v0 =	vadd.f32 v9, v0;
	[tilespmem:s20+$0x80] =	vst v6  }
0x5c: {  	v4 =	vadd.f32 v10, v4;
	[tilespmem:s20+$0x280] =	vst v5  }
0x5d: {  	[tilespmem:s20+$0x180] =	vst v0;
	v0 =	vadd.f32 v11, v2  }
0x5e: {  	v2 =	vadd.f32 v12, v3;
	[tilespmem:s20+$0x100] =	vst v4  }
0x5f: {  	v1 =	vadd.f32 v8, v1;
	[tilespmem:s20+$0x300] =	vst v0  }
0x60: {  	[tilespmem:s20+$0x200] =	vst v2  }
0x61: {  	s22 =	sor.u32 $0x380, s21;
	[tilespmem:s20+$0x0] =	vst v1  }
0x62: {  	v0 =	vld [tilespmem:s22+$0x0]  }
0x63: {  	v1 =	vld [tilespmem:s22+$0x4000];
	_ =	sdelay $0x4  }
0x64: {  	v0 =	vadd.f32 v1, v0;
	_ =	sdelay $0x1  }
0x65: {  	[tilespmem:s22+$0x0] =	vst v0  }
0x66: {  	v0 =	vld [tilespmem:s20+$0x2000]  }
0x67: {  	v1 =	vld [tilespmem:s20+$0x6000]  }
0x68: {  	v2 =	vld [tilespmem:s20+$0x2080]  }
0x69: {  	v3 =	vld [tilespmem:s20+$0x6080]  }
0x6a: {  	v4 =	vld [tilespmem:s20+$0x6300]  }
0x6b: {  	v5 =	vld [tilespmem:s20+$0x6180]  }
0x6c: {  	v6 =	vld [tilespmem:s20+$0x2300]  }
0x6d: {  	v7 =	vld [tilespmem:s20+$0x2200]  }
0x6e: {  	v8 =	vld [tilespmem:s20+$0x6100]  }
0x6f: {  	v0 =	vadd.f32 v1, v0;
	v1 =	vld [tilespmem:s20+$0x6280]  }
0x70: {  	v2 =	vadd.f32 v3, v2;
	v3 =	vld [tilespmem:s20+$0x2280]  }
0x71: {  	[tilespmem:s20+$0x2000] =	vst v0;
	v0 =	vld [tilespmem:s20+$0x6200]  }
0x72: {  	[tilespmem:s20+$0x2080] =	vst v2;
	v2 =	vld [tilespmem:s20+$0x2180]  }
0x73: {  	v9 =	vld [tilespmem:s20+$0x2100]  }
0x74: {  	v4 =	vadd.f32 v4, v6  }
0x75: {  	v1 =	vadd.f32 v1, v3  }
0x76: {  	[tilespmem:s20+$0x2300] =	vst v4;
	v0 =	vadd.f32 v0, v7  }
0x77: {  	v2 =	vadd.f32 v5, v2;
	[tilespmem:s20+$0x2280] =	vst v1  }
0x78: {  	[tilespmem:s20+$0x2200] =	vst v0;
	v0 =	vadd.f32 v8, v9  }
0x79: {  	[tilespmem:s20+$0x2180] =	vst v2  }
0x7a: {  	s29 =	sor.u32 $0x2380, s21;
	[tilespmem:s20+$0x2100] =	vst v0  }
0x7b: {  	v0 =	vld [tilespmem:s29+$0x0]  }
0x7c: {  	v1 =	vld [tilespmem:s29+$0x4000];
	_ =	sdelay $0x4  }
0x7d: {  	v0 =	vadd.f32 v1, v0;
	_ =	sdelay $0x1  }
0x7e: {  	s22 =	simm.s32 $0x0;
	[tilespmem:s29+$0x0] =	vst v0  }
0x7f: {  	[hbm4b:s7+s22] =	stream.linear.scatter [tilespmem:s22], [sflag:$0x3], $0x4000, $0x38;
	[tilespmem:$0x10000] =	vst v63  }
0x80: {  	_ =	swait.ge [sflag:s15], $0x4000  }
0x81: {  	[sflag:s15] =	ssyncset.done $0x0  }
0x82: {  	[sflag:s15] =	ssyncadd.s32 $0xFFFFC000  }
0x83: {  	_ =	swait.ge [sflag:s16], $0x4000  }
0x84: {  	s30 =	sand.u32 $0x70, s22;
	s31 =	sand.u32 $0x1C00, s22;
	[sflag:s16] =	ssyncset.done $0x0  }
0x85: {  	s20 =	sor.u32 s30, s31;
	[sflag:s16] =	ssyncadd.s32 $0xFFFFC000  }
0x86: {  	v0 =	vld [tilespmem:s20+$0x8180]  }
0x87: {  	v1 =	vld [tilespmem:s20+$0x8000]  }
0x88: {  	v2 =	vld [tilespmem:s20+$0x8300]  }
0x89: {  	v3 =	vld [tilespmem:s20+$0x8200]  }
0x8a: {  	v4 =	vld [tilespmem:s20+$0x8100]  }
0x8b: {  	v5 =	vld [tilespmem:s20+$0x8280]  }
0x8c: {  	v6 =	vld [tilespmem:s20+$0x8080]  }
0x8d: {  	v7 =	vld [tilespmem:s20+$0xC080]  }
0x8e: {  	s23 =	simm.s32 $0x10;
	s21 =	sor.u32 s22, s22;
	v8 =	vld [tilespmem:s20+$0xC280]  }
.LBB2_4:
0x8f: {  	p0 =	sne.s32 s23, $0x3F0  }
0x90: {  	v9 =	vld [tilespmem:s20+$0xC180];
	s22 =	sadd.s32 $0x80, s22;
	s25 =	smov.u32 s23;
	s23 =	sadd.s32 $0x10, s23  }
0x91: {  	s24 =	sor.u32 s25, s22;
	v10 =	vld [tilespmem:s20+$0xC100]  }
0x92: {  	v11 =	vld [tilespmem:s20+$0xC200]  }
0x93: {  	v12 =	vld [tilespmem:s20+$0xC300]  }
0x94: {  	v6 =	vadd.f32 v7, v6;
	v13 =	vld [tilespmem:s20+$0xC000];
	v5 =	vadd.f32 v8, v5  }
0x95: {  	v0 =	vadd.f32 v9, v0  }
0x96: {  	v4 =	vadd.f32 v10, v4;
	[tilespmem:s20+$0x8280] =	vst v5  }
0x97: {  	[tilespmem:s20+$0x8180] =	vst v0;
	v0 =	vadd.f32 v11, v3  }
0x98: {  	[tilespmem:s20+$0x8080] =	vst v6;
	v2 =	vadd.f32 v12, v2  }
0x99: {  	v1 =	vadd.f32 v13, v1;
	[tilespmem:s20+$0x8100] =	vst v4  }
0x9a: {  	[tilespmem:s20+$0x8300] =	vst v2  }
0x9b: {  	[tilespmem:s20+$0x8200] =	vst v0  }
0x9c: {  	s26 =	sor.u32 $0x380, s21;
	[tilespmem:s20+$0x8000] =	vst v1  }
0x9d: {  	v0 =	vld [tilespmem:s26+$0x8000]  }
0x9e: {  	v1 =	vld [tilespmem:s26+$0xC000];
	_ =	sdelay $0x4  }
0x9f: {  	v0 =	vadd.f32 v1, v0;
	_ =	sdelay $0x1  }
0xa0: {  	s25 =	sand.u32 $0x70, s25;
	s28 =	sand.u32 $0x1C00, s22;
	[tilespmem:s26+$0x8000] =	vst v0  }
0xa1: {  	s25 =	sor.u32 s25, s28;
	v0 =	vld [tilespmem:s20+$0xA000]  }
0xa2: {  	v1 =	vld [tilespmem:s20+$0xE000]  }
0xa3: {  	v2 =	vld [tilespmem:s20+$0xA080]  }
0xa4: {  	v3 =	vld [tilespmem:s20+$0xE080]  }
0xa5: {  	v4 =	vld [tilespmem:s20+$0xE300]  }
0xa6: {  	v5 =	vld [tilespmem:s20+$0xA300]  }
0xa7: {  	v0 =	vadd.f32 v1, v0;
	v1 =	vld [tilespmem:s20+$0xE280]  }
0xa8: {  	v6 =	vld [tilespmem:s20+$0xE180]  }
0xa9: {  	[tilespmem:s20+$0xA000] =	vst v0;
	v0 =	vadd.f32 v3, v2;
	v2 =	vld [tilespmem:s20+$0xE200]  }
0xaa: {  	v3 =	vld [tilespmem:s20+$0xA280]  }
0xab: {  	[tilespmem:s20+$0xA080] =	vst v0;
	v7 =	vld [tilespmem:s20+$0xA200];
	v0 =	vadd.f32 v4, v5  }
0xac: {  	v4 =	vld [tilespmem:s20+$0xA180]  }
0xad: {  	v5 =	vld [tilespmem:s20+$0xE100];
	[tilespmem:s20+$0xA300] =	vst v0  }
0xae: {  	v8 =	vld [tilespmem:s20+$0xA100]  }
0xaf: {  	v0 =	vld [tilespmem:s25+$0x8180];
	v1 =	vadd.f32 v1, v3  }
0xb0: {  	v2 =	vadd.f32 v2, v7  }
0xb1: {  	v3 =	vadd.f32 v6, v4;
	[tilespmem:s20+$0xA280] =	vst v1  }
0xb2: {  	[tilespmem:s20+$0xA200] =	vst v2  }
0xb3: {  	v1 =	vadd.f32 v5, v8  }
0xb4: {  	[tilespmem:s20+$0xA180] =	vst v3  }
0xb5: {  	s26 =	sor.u32 $0x2380, s21;
	s21 =	smov.u32 s24;
	[tilespmem:s20+$0xA100] =	vst v1;
	s20 =	smov.u32 s25  }
0xb6: {  	v5 =	vld [tilespmem:s26+$0x8000]  }
0xb7: {  	v6 =	vld [tilespmem:s26+$0xC000];
	_ =	sdelay $0x1  }
0xb8: {  	v1 =	vld [tilespmem:s20+$0x8000]  }
0xb9: {  	v2 =	vld [tilespmem:s20+$0x8300]  }
0xba: {  	v3 =	vld [tilespmem:s20+$0x8200]  }
.Ltmp1:
0xbb: {  	v4 =	vld [tilespmem:s20+$0x8100];
	v7 =	vadd.f32 v6, v5;
	(pc) =	sbr.rel @p0 .LBB2_4-.Ltmp1, $4  }
0xbc: {  	v5 =	vld [tilespmem:s20+$0x8280]  }
0xbd: {  	v6 =	vld [tilespmem:s20+$0x8080];
	[tilespmem:s26+$0x8000] =	vst v7  }
0xbe: {  	v7 =	vld [tilespmem:s20+$0xC080]  }
0xbf: {  	v8 =	vld [tilespmem:s20+$0xC280]  }
0xc0: {  	v9 =	vld [tilespmem:s20+$0xC180]  }
0xc1: {  	v10 =	vld [tilespmem:s20+$0xC100]  }
0xc2: {  	v11 =	vld [tilespmem:s20+$0xC300]  }
0xc3: {  	v12 =	vld [tilespmem:s20+$0xC200];
	v6 =	vadd.f32 v7, v6  }
0xc4: {  	v47 =	vld [tilespmem:s20+$0xC000];
	v5 =	vadd.f32 v8, v5  }
0xc5: {  	v0 =	vadd.f32 v9, v0;
	[tilespmem:s20+$0x8080] =	vst v6  }
0xc6: {  	v4 =	vadd.f32 v10, v4;
	[tilespmem:s20+$0x8280] =	vst v5  }
0xc7: {  	v48 =	vadd.f32 v11, v2;
	[tilespmem:s20+$0x8180] =	vst v0  }
0xc8: {  	v49 =	vadd.f32 v12, v3;
	[tilespmem:s20+$0x8100] =	vst v4  }
0xc9: {  	v1 =	vadd.f32 v47, v1;
	[tilespmem:s20+$0x8300] =	vst v48  }
0xca: {  	[tilespmem:s20+$0x8200] =	vst v49  }
0xcb: {  	s22 =	sor.u32 $0x380, s21;
	[tilespmem:s20+$0x8000] =	vst v1  }
0xcc: {  	v0 =	vld [tilespmem:s22+$0x8000]  }
0xcd: {  	v1 =	vld [tilespmem:s22+$0xC000];
	_ =	sdelay $0x4  }
0xce: {  	v0 =	vadd.f32 v1, v0;
	_ =	sdelay $0x1  }
0xcf: {  	[tilespmem:s22+$0x8000] =	vst v0  }
0xd0: {  	v0 =	vld [tilespmem:s20+$0xA000]  }
0xd1: {  	v50 =	vld [tilespmem:s20+$0xE000]  }
0xd2: {  	v51 =	vld [tilespmem:s20+$0xA080]  }
0xd3: {  	v52 =	vld [tilespmem:s20+$0xE080]  }
0xd4: {  	v53 =	vld [tilespmem:s20+$0xE300]  }
0xd5: {  	v54 =	vld [tilespmem:s20+$0xE280]  }
0xd6: {  	v55 =	vld [tilespmem:s20+$0xE180]  }
0xd7: {  	v56 =	vld [tilespmem:s20+$0xA300]  }
0xd8: {  	v57 =	vld [tilespmem:s20+$0xE200]  }
0xd9: {  	v58 =	vld [tilespmem:s20+$0xA280]  }
0xda: {  	v61 =	vld [tilespmem:s20+$0xE100]  }
0xdb: {  	v62 =	vld [tilespmem:s20+$0xA100]  }
0xdc: {  	v59 =	vld [tilespmem:s20+$0xA200];
	v0 =	vadd.f32 v50, v0  }
0xdd: {  	v60 =	vld [tilespmem:s20+$0xA180];
	v2 =	vadd.f32 v52, v51  }
0xde: {  	v4 =	vadd.f32 v53, v56;
	[tilespmem:s20+$0xA000] =	vst v0  }
0xdf: {  	v1 =	vadd.f32 v54, v58;
	[tilespmem:s20+$0xA080] =	vst v2  }
0xe0: {  	v63 =	vadd.f32 v61, v62;
	[tilespmem:s20+$0xA300] =	vst v4  }
0xe1: {  	v0 =	vadd.f32 v57, v59;
	[tilespmem:s20+$0xA280] =	vst v1  }
0xe2: {  	v2 =	vadd.f32 v55, v60;
	[tilespmem:s20+$0xA100] =	vst v63  }
0xe3: {  	[tilespmem:s20+$0xA200] =	vst v0  }
0xe4: {  	s31 =	sor.u32 $0x2380, s21;
	[tilespmem:s20+$0xA180] =	vst v2  }
0xe5: {  	v0 =	vld [tilespmem:s31+$0x8000]  }
0xe6: {  	v1 =	vld [tilespmem:s31+$0xC000];
	_ =	sdelay $0x4  }
0xe7: {  	v0 =	vadd.f32 v1, v0;
	_ =	sdelay $0x1  }
0xe8: {  	s19 =	sadd.s32 $0x1, s19;
	[tilespmem:s31+$0x8000] =	vst v0  }
0xe9: {  	[hbm4b:s8+s2] =	stream.linear.scatter [tilespmem:s11], [sflag:$0x6], $0x4000, $0x38;
	[tilespmem:$0x10000] =	vst v63  }
0xea: {  	p0 =	sne.s32 s19, s9;
	_ =	swait.ge [sflag:s17], $0x4000  }
.Ltmp2:
0xeb: {  	[sflag:s17] =	ssyncset.done $0x0;
	(pc) =	sbr.rel @p0 .LBB2_1-.Ltmp2, $4  }
0xec: {  	[sflag:s17] =	ssyncadd.s32 $0xFFFFC000  }
0xed: {  	_ =	swait.ge [sflag:s18], $0x4000  }
0xee: {  	[sflag:s18] =	ssyncset.done $0x0  }
0xef: {  	[sflag:s18] =	ssyncadd.s32 $0xFFFFC000  }
0xf0: {  	_ =	sfence.sel $0x180000  }
0xf1: {  	[bflag:$0x0] =	sbarrier.arrive $0xFFFF  }
0xf2: {  	p0 =	sne.s32 s1, $0x0;
	_ =	strace $0x90000047  }
0xf3: {  	s0 =	sadd.s32 @!p0 $0x100000, s0;
	[bflag:$0x2] =	sbarrier.arrive $0xFFFF  }
0xf4: {  	[sflag:s0] =	ssyncadd.tile.s32 @!p0 $0x1;
	_ =	shalt  }
.Lfunc_end2:
_tile_overlayer_lowered:
.L_overlay_start_2:
0xf5: {  	(tag) =	ssettag $0x2  }
0xf6: {  	s0 =	rddreg [dreg:$0x0];
	s2 =	stileid.u32  }
0xf7: {  	s1 =	rddreg [dreg:$0x1];
	p0 =	sne.s32 s2, $0x0  }
0xf8: {  	s3 =	rddreg [dreg:$0x2];
	[bflag:$0x3] =	sbarrier.arrive $0xFFFF;
	s2 =	simm.s32 @!p0 $0x1C07  }
0xf9: {  	[timem:s3], [sflag:s2] =	dma.local @!p0 [hbm:s0], s1  }
0xfa: {  	s0 =	simm.s32 @!p0 $0x7  }
0xfb: {  	_ =	swait.ge @!p0 [sflag:s0], s1  }
0xfc: {  	s1 =	ssub.s32 @!p0 $0x0, s1;
	[sflag:s0] =	ssyncset.done @!p0 $0x0  }
0xfd: {  	[sflag:s0] =	ssyncadd.s32 @!p0 s1  }
0xfe: {  	[bflag:$0x3] =	sbarrier.arrive $0xFFFF  }
0xff: {  	_ =	shalt  }

</sc_bundles>
